<compile_context>
chip_gen: v7x
topology: tpu7x:2x2x1
jax: 0.10.2.dev20260603
libtpu: 0.0.44.dev20260713+nightly
codegen_flags: <defaults>
</compile_context>

<pallas_src>
import functools

import jax
import jax.numpy as jnp
from jax import lax
from jax.experimental import pallas as pl
from jax.experimental.pallas import tpu as pltpu
from jax.experimental.pallas import tpu_sc as plsc

N_TOK = 8192
HID = 2048
N_EXP = 16
BM = 1024

NW = 16
TOK_PER_W = N_TOK // NW


def _router_gate_body(xa_ref, xb_ref, w_ref, gate_ref):
    dn = (((1,), (1,)), ((), ()))
    logits = lax.dot_general(
        w_ref[:, : HID // 2], xa_ref[...],
        dimension_numbers=dn, preferred_element_type=jnp.float32,
    ) + lax.dot_general(
        w_ref[:, HID // 2 :], xb_ref[...],
        dimension_numbers=dn, preferred_element_type=jnp.float32,
    )
    m = jnp.max(logits, axis=0, keepdims=True)
    e = jnp.exp(logits - m)
    gate_ref[...] = e / jnp.sum(e, axis=0, keepdims=True)


def _gate_tc(x, w):
    return pl.pallas_call(
        _router_gate_body,
        grid=(N_TOK // BM,),
        in_specs=[
            pl.BlockSpec((BM, HID // 2), lambda i: (i, 0)),
            pl.BlockSpec((BM, HID // 2), lambda i: (i, 1)),
            pl.BlockSpec((N_EXP, HID), lambda i: (0, 0)),
        ],
        out_specs=pl.BlockSpec((N_EXP, BM), lambda i: (0, i)),
        out_shape=jax.ShapeDtypeStruct((N_EXP, N_TOK), jnp.float32),
    )(x, x, w)


def _top2_sc_body(gate_hbm, val_hbm, idx_hbm, gate_v, outv, outi):
    wid = lax.axis_index("s") + lax.axis_index("c")
    base = wid * TOK_PER_W

    pltpu.sync_copy(gate_hbm.at[:, pl.ds(base, TOK_PER_W)], gate_v)

    def grp_body(g, carry):
        sl = pl.ds(g * 16, 16)
        vals = [gate_v[e, sl] for e in range(N_EXP)]
        m1 = vals[0]
        i1 = jnp.zeros((16,), jnp.int32)
        for e in range(1, N_EXP):
            c = vals[e] > m1
            m1 = jnp.where(c, vals[e], m1)
            i1 = jnp.where(c, e, i1)
        m2 = jnp.full((16,), -1.0, jnp.float32)
        i2 = jnp.zeros((16,), jnp.int32)
        for e in range(N_EXP):
            ve = jnp.where(i1 == e, -1.0, vals[e])
            c = ve > m2
            m2 = jnp.where(c, ve, m2)
            i2 = jnp.where(c, e, i2)
        outv[0, sl] = m1
        outv[1, sl] = m2
        outi[0, sl] = i1
        outi[1, sl] = i2
        return carry

    lax.fori_loop(0, TOK_PER_W // 16, grp_body, 0, unroll=2)

    pltpu.sync_copy(outv, val_hbm.at[:, pl.ds(base, TOK_PER_W)])
    pltpu.sync_copy(outi, idx_hbm.at[:, pl.ds(base, TOK_PER_W)])


def _top2_sc(gate_t):
    mesh = plsc.VectorSubcoreMesh(core_axis_name="c", subcore_axis_name="s", num_cores=1)
    f = functools.partial(
        pl.kernel,
        out_type=[
            jax.ShapeDtypeStruct((2, N_TOK), jnp.float32),
            jax.ShapeDtypeStruct((2, N_TOK), jnp.int32),
        ],
        mesh=mesh,
        compiler_params=pltpu.CompilerParams(needs_layout_passes=False),
        scratch_types=[
            pltpu.VMEM((N_EXP, TOK_PER_W), jnp.float32),
            pltpu.VMEM((2, TOK_PER_W), jnp.float32),
            pltpu.VMEM((2, TOK_PER_W), jnp.int32),
        ],
    )(_top2_sc_body)
    return f(gate_t)


def kernel(x, W):
    gate_t = _gate_tc(x, W)
    val_t, idx_t = _top2_sc(gate_t)
    return val_t.T, idx_t.T, gate_t.T

# --- scband reference (transcript-rebuilt; emitter-appended) ---
"""Pipeline reference for scband-top2-router-16879221473405 (READ-ONLY COPY).

The authoritative reference and input builder live on the scoring server;
editing this copy changes nothing except your own understanding.
"""

import jax, jax.numpy as jnp
import numpy as np


def setup_inputs(seed: int = 0) -> dict:
    key = jax.random.key(seed)
    k1, k2 = jax.random.split(key)
    x = jax.random.normal(k1, (8192, 2048), dtype=jnp.float32)
    # router projection weight: nn.Linear(hidden_size=2048, n_experts=16, bias=False)
    # torch stores weight as [out_features, in_features] = [16, 2048]
    W = jax.random.normal(k2, (16, 2048), dtype=jnp.float32) * (1.0 / np.sqrt(2048))
    return {"x": x, "W": W}


def reference(x, W):
    # logits = x @ W^T  (nn.Linear with bias=False)
    logits = jnp.dot(x, W.T)
    # noise_std = 0.0 so no noise branch is taken (deterministic)
    gate = jax.nn.softmax(logits, axis=-1)
    top2_val, top2_idx = jax.lax.top_k(gate, 2)
    return (top2_val, top2_idx, gate)

if __name__ == "__main__":
    import jax
    _d = setup_inputs()
    print(jax.jit(kernel)(*tuple(_d.values())))

</pallas_src>

<mosaic_0001>
#map = affine_map<(d0, d1) -> (0, 0)>
module attributes {stable_mosaic.version = 14 : i64} {
  func.func @_top2_sc_body(%arg0: i32, %arg1: i32, %arg2: memref<16x8192xf32, #tpu.memory_space<hbm>>, %arg3: memref<2x8192xf32, #tpu.memory_space<hbm>>, %arg4: memref<2x8192xi32, #tpu.memory_space<hbm>>, %arg5: memref<16x512xf32, #tpu.memory_space<vmem>>, %arg6: memref<2x512xf32, #tpu.memory_space<vmem>>, %arg7: memref<2x512xi32, #tpu.memory_space<vmem>>) attributes {dimension_semantics = [#tpu.dimension_semantics<core_parallel>, #tpu.dimension_semantics<subcore_parallel>], iteration_bounds = array<i64: 1, 16>, scalar_prefetch = 0 : i64, scratch_operands = 3 : i64, tpu.core_type = #tpu.core_type<sc_vector_subcore>, window_params = [{transform_indices = #map}, {transform_indices = #map}, {transform_indices = #map}]} {
    %add3A = arith.addi %arg1, %arg0 : i32
    %mul3A = arith.constant 512 : i32
    %mul3A_0 = arith.muli %add3A, %mul3A : i32
    "tpu.region"() ({
      %run_scoped3A = tpu.sem_alloc : memref<!tpu.dma_semaphore, #tpu.memory_space<semaphore_mem>>
      %dma_start3A = arith.constant 0 : i32
      %dma_start3A_6 = tpu.memref_slice %arg2[%dma_start3A, %mul3A_0] : memref<16x8192xf32, #tpu.memory_space<hbm>> -> memref<16x512xf32, #tpu.memory_space<hbm>>
      %dma_start3A_7 = arith.constant 0 : i32
      %dma_start3A_8 = tpu.memref_slice %arg2[%dma_start3A_7, %mul3A_0] : memref<16x8192xf32, #tpu.memory_space<hbm>> -> memref<16x512xf32, #tpu.memory_space<hbm>>
      tpu.enqueue_dma source(%dma_start3A_8 : memref<16x512xf32, #tpu.memory_space<hbm>>) target(%arg5 : memref<16x512xf32, #tpu.memory_space<vmem>>) target_semaphore(%run_scoped3A : memref<!tpu.dma_semaphore, #tpu.memory_space<semaphore_mem>>)
      %dma_wait3A = arith.constant 0 : i32
      %dma_wait3A_9 = tpu.memref_slice %arg2[%dma_wait3A, %mul3A_0] : memref<16x8192xf32, #tpu.memory_space<hbm>> -> memref<16x512xf32, #tpu.memory_space<hbm>>
      %dma_wait3A_10 = arith.constant 0 : i32
      %dma_wait3A_11 = tpu.memref_slice %arg2[%dma_wait3A_10, %mul3A_0] : memref<16x8192xf32, #tpu.memory_space<hbm>> -> memref<16x512xf32, #tpu.memory_space<hbm>>
      tpu.wait_dma2 semaphore(%run_scoped3A : memref<!tpu.dma_semaphore, #tpu.memory_space<semaphore_mem>>) src(%dma_wait3A_11 : memref<16x512xf32, #tpu.memory_space<hbm>>) dst(%arg5 : memref<16x512xf32, #tpu.memory_space<vmem>>)
      tpu.yield
    }) : () -> ()
    %scan3A = arith.constant 0 : i32
    %scan3A_1 = arith.constant 0 : i32
    %scan3A_2 = arith.constant 32 : i32
    %scan3A_3 = arith.addi %scan3A_1, %scan3A_2 : i32
    %scan3A_4 = arith.constant 2 : i32
    scf.for %scan3A_6 = %scan3A_1 to %scan3A_3 step %scan3A_4  : i32 {
      %mul3A_7 = arith.constant 16 : i32
      %mul3A_8 = arith.muli %scan3A_6, %mul3A_7 : i32
      %get3A = arith.constant 0 : i32
      %get3A_9 = arith.index_cast %get3A : i32 to index
      %get3A_10 = arith.index_cast %mul3A_8 : i32 to index
      %get3A_11 = tpu.vector_load %arg5[%get3A_9, %get3A_10] {strides = array<i32>} : memref<16x512xf32, #tpu.memory_space<vmem>>, vector<16xf32>,
      %get3A_12 = arith.constant 1 : i32
      %get3A_13 = arith.index_cast %get3A_12 : i32 to index
      %get3A_14 = arith.index_cast %mul3A_8 : i32 to index
      %get3A_15 = tpu.vector_load %arg5[%get3A_13, %get3A_14] {strides = array<i32>} : memref<16x512xf32, #tpu.memory_space<vmem>>, vector<16xf32>,
      %get3A_16 = arith.constant 2 : i32
      %get3A_17 = arith.index_cast %get3A_16 : i32 to index
      %get3A_18 = arith.index_cast %mul3A_8 : i32 to index
      %get3A_19 = tpu.vector_load %arg5[%get3A_17, %get3A_18] {strides = array<i32>} : memref<16x512xf32, #tpu.memory_space<vmem>>, vector<16xf32>,
      %get3A_20 = arith.constant 3 : i32
      %get3A_21 = arith.index_cast %get3A_20 : i32 to index
      %get3A_22 = arith.index_cast %mul3A_8 : i32 to index
      %get3A_23 = tpu.vector_load %arg5[%get3A_21, %get3A_22] {strides = array<i32>} : memref<16x512xf32, #tpu.memory_space<vmem>>, vector<16xf32>,
      %get3A_24 = arith.constant 4 : i32
      %get3A_25 = arith.index_cast %get3A_24 : i32 to index
      %get3A_26 = arith.index_cast %mul3A_8 : i32 to index
      %get3A_27 = tpu.vector_load %arg5[%get3A_25, %get3A_26] {strides = array<i32>} : memref<16x512xf32, #tpu.memory_space<vmem>>, vector<16xf32>,
      %get3A_28 = arith.constant 5 : i32
      %get3A_29 = arith.index_cast %get3A_28 : i32 to index
      %get3A_30 = arith.index_cast %mul3A_8 : i32 to index
      %get3A_31 = tpu.vector_load %arg5[%get3A_29, %get3A_30] {strides = array<i32>} : memref<16x512xf32, #tpu.memory_space<vmem>>, vector<16xf32>,
      %get3A_32 = arith.constant 6 : i32
      %get3A_33 = arith.index_cast %get3A_32 : i32 to index
      %get3A_34 = arith.index_cast %mul3A_8 : i32 to index
      %get3A_35 = tpu.vector_load %arg5[%get3A_33, %get3A_34] {strides = array<i32>} : memref<16x512xf32, #tpu.memory_space<vmem>>, vector<16xf32>,
      %get3A_36 = arith.constant 7 : i32
      %get3A_37 = arith.index_cast %get3A_36 : i32 to index
      %get3A_38 = arith.index_cast %mul3A_8 : i32 to index
      %get3A_39 = tpu.vector_load %arg5[%get3A_37, %get3A_38] {strides = array<i32>} : memref<16x512xf32, #tpu.memory_space<vmem>>, vector<16xf32>,
      %get3A_40 = arith.constant 8 : i32
      %get3A_41 = arith.index_cast %get3A_40 : i32 to index
      %get3A_42 = arith.index_cast %mul3A_8 : i32 to index
      %get3A_43 = tpu.vector_load %arg5[%get3A_41, %get3A_42] {strides = array<i32>} : memref<16x512xf32, #tpu.memory_space<vmem>>, vector<16xf32>,
      %get3A_44 = arith.constant 9 : i32
      %get3A_45 = arith.index_cast %get3A_44 : i32 to index
      %get3A_46 = arith.index_cast %mul3A_8 : i32 to index
      %get3A_47 = tpu.vector_load %arg5[%get3A_45, %get3A_46] {strides = array<i32>} : memref<16x512xf32, #tpu.memory_space<vmem>>, vector<16xf32>,
      %get3A_48 = arith.constant 10 : i32
      %get3A_49 = arith.index_cast %get3A_48 : i32 to index
      %get3A_50 = arith.index_cast %mul3A_8 : i32 to index
      %get3A_51 = tpu.vector_load %arg5[%get3A_49, %get3A_50] {strides = array<i32>} : memref<16x512xf32, #tpu.memory_space<vmem>>, vector<16xf32>,
      %get3A_52 = arith.constant 11 : i32
      %get3A_53 = arith.index_cast %get3A_52 : i32 to index
      %get3A_54 = arith.index_cast %mul3A_8 : i32 to index
      %get3A_55 = tpu.vector_load %arg5[%get3A_53, %get3A_54] {strides = array<i32>} : memref<16x512xf32, #tpu.memory_space<vmem>>, vector<16xf32>,
      %get3A_56 = arith.constant 12 : i32
      %get3A_57 = arith.index_cast %get3A_56 : i32 to index
      %get3A_58 = arith.index_cast %mul3A_8 : i32 to index
      %get3A_59 = tpu.vector_load %arg5[%get3A_57, %get3A_58] {strides = array<i32>} : memref<16x512xf32, #tpu.memory_space<vmem>>, vector<16xf32>,
      %get3A_60 = arith.constant 13 : i32
      %get3A_61 = arith.index_cast %get3A_60 : i32 to index
      %get3A_62 = arith.index_cast %mul3A_8 : i32 to index
      %get3A_63 = tpu.vector_load %arg5[%get3A_61, %get3A_62] {strides = array<i32>} : memref<16x512xf32, #tpu.memory_space<vmem>>, vector<16xf32>,
      %get3A_64 = arith.constant 14 : i32
      %get3A_65 = arith.index_cast %get3A_64 : i32 to index
      %get3A_66 = arith.index_cast %mul3A_8 : i32 to index
      %get3A_67 = tpu.vector_load %arg5[%get3A_65, %get3A_66] {strides = array<i32>} : memref<16x512xf32, #tpu.memory_space<vmem>>, vector<16xf32>,
      %get3A_68 = arith.constant 15 : i32
      %get3A_69 = arith.index_cast %get3A_68 : i32 to index
      %get3A_70 = arith.index_cast %mul3A_8 : i32 to index
      %get3A_71 = tpu.vector_load %arg5[%get3A_69, %get3A_70] {strides = array<i32>} : memref<16x512xf32, #tpu.memory_space<vmem>>, vector<16xf32>,
      %broadcast_in_dim3A = arith.constant 0 : i32
      %broadcast_in_dim3A_72 = vector.broadcast %broadcast_in_dim3A : i32 to vector<16xi32>
      %gt3A = arith.cmpf ogt, %get3A_15, %get3A_11 : vector<16xf32>
      %select_n3A = arith.select %gt3A, %get3A_15, %get3A_11 : vector<16xi1>, vector<16xf32>
      %jit3A = arith.constant 1 : i32
      %broadcast_in_dim3A_73 = vector.broadcast %jit3A : i32 to vector<16xi32>
      %select_n3A_74 = arith.select %gt3A, %broadcast_in_dim3A_73, %broadcast_in_dim3A_72 : vector<16xi1>, vector<16xi32>
      %gt3A_75 = arith.cmpf ogt, %get3A_19, %select_n3A : vector<16xf32>
      %select_n3A_76 = arith.select %gt3A_75, %get3A_19, %select_n3A : vector<16xi1>, vector<16xf32>
      %jit3A_77 = arith.constant 2 : i32
      %broadcast_in_dim3A_78 = vector.broadcast %jit3A_77 : i32 to vector<16xi32>
      %select_n3A_79 = arith.select %gt3A_75, %broadcast_in_dim3A_78, %select_n3A_74 : vector<16xi1>, vector<16xi32>
      %gt3A_80 = arith.cmpf ogt, %get3A_23, %select_n3A_76 : vector<16xf32>
      %select_n3A_81 = arith.select %gt3A_80, %get3A_23, %select_n3A_76 : vector<16xi1>, vector<16xf32>
      %jit3A_82 = arith.constant 3 : i32
      %broadcast_in_dim3A_83 = vector.broadcast %jit3A_82 : i32 to vector<16xi32>
      %select_n3A_84 = arith.select %gt3A_80, %broadcast_in_dim3A_83, %select_n3A_79 : vector<16xi1>, vector<16xi32>
      %gt3A_85 = arith.cmpf ogt, %get3A_27, %select_n3A_81 : vector<16xf32>
      %select_n3A_86 = arith.select %gt3A_85, %get3A_27, %select_n3A_81 : vector<16xi1>, vector<16xf32>
      %jit3A_87 = arith.constant 4 : i32
      %broadcast_in_dim3A_88 = vector.broadcast %jit3A_87 : i32 to vector<16xi32>
      %select_n3A_89 = arith.select %gt3A_85, %broadcast_in_dim3A_88, %select_n3A_84 : vector<16xi1>, vector<16xi32>
      %gt3A_90 = arith.cmpf ogt, %get3A_31, %select_n3A_86 : vector<16xf32>
      %select_n3A_91 = arith.select %gt3A_90, %get3A_31, %select_n3A_86 : vector<16xi1>, vector<16xf32>
      %jit3A_92 = arith.constant 5 : i32
      %broadcast_in_dim3A_93 = vector.broadcast %jit3A_92 : i32 to vector<16xi32>
      %select_n3A_94 = arith.select %gt3A_90, %broadcast_in_dim3A_93, %select_n3A_89 : vector<16xi1>, vector<16xi32>
      %gt3A_95 = arith.cmpf ogt, %get3A_35, %select_n3A_91 : vector<16xf32>
      %select_n3A_96 = arith.select %gt3A_95, %get3A_35, %select_n3A_91 : vector<16xi1>, vector<16xf32>
      %jit3A_97 = arith.constant 6 : i32
      %broadcast_in_dim3A_98 = vector.broadcast %jit3A_97 : i32 to vector<16xi32>
      %select_n3A_99 = arith.select %gt3A_95, %broadcast_in_dim3A_98, %select_n3A_94 : vector<16xi1>, vector<16xi32>
      %gt3A_100 = arith.cmpf ogt, %get3A_39, %select_n3A_96 : vector<16xf32>
      %select_n3A_101 = arith.select %gt3A_100, %get3A_39, %select_n3A_96 : vector<16xi1>, vector<16xf32>
      %jit3A_102 = arith.constant 7 : i32
      %broadcast_in_dim3A_103 = vector.broadcast %jit3A_102 : i32 to vector<16xi32>
      %select_n3A_104 = arith.select %gt3A_100, %broadcast_in_dim3A_103, %select_n3A_99 : vector<16xi1>, vector<16xi32>
      %gt3A_105 = arith.cmpf ogt, %get3A_43, %select_n3A_101 : vector<16xf32>
      %select_n3A_106 = arith.select %gt3A_105, %get3A_43, %select_n3A_101 : vector<16xi1>, vector<16xf32>
      %jit3A_107 = arith.constant 8 : i32
      %broadcast_in_dim3A_108 = vector.broadcast %jit3A_107 : i32 to vector<16xi32>
      %select_n3A_109 = arith.select %gt3A_105, %broadcast_in_dim3A_108, %select_n3A_104 : vector<16xi1>, vector<16xi32>
      %gt3A_110 = arith.cmpf ogt, %get3A_47, %select_n3A_106 : vector<16xf32>
      %select_n3A_111 = arith.select %gt3A_110, %get3A_47, %select_n3A_106 : vector<16xi1>, vector<16xf32>
      %jit3A_112 = arith.constant 9 : i32
      %broadcast_in_dim3A_113 = vector.broadcast %jit3A_112 : i32 to vector<16xi32>
      %select_n3A_114 = arith.select %gt3A_110, %broadcast_in_dim3A_113, %select_n3A_109 : vector<16xi1>, vector<16xi32>
      %gt3A_115 = arith.cmpf ogt, %get3A_51, %select_n3A_111 : vector<16xf32>
      %select_n3A_116 = arith.select %gt3A_115, %get3A_51, %select_n3A_111 : vector<16xi1>, vector<16xf32>
      %jit3A_117 = arith.constant 10 : i32
      %broadcast_in_dim3A_118 = vector.broadcast %jit3A_117 : i32 to vector<16xi32>
      %select_n3A_119 = arith.select %gt3A_115, %broadcast_in_dim3A_118, %select_n3A_114 : vector<16xi1>, vector<16xi32>
      %gt3A_120 = arith.cmpf ogt, %get3A_55, %select_n3A_116 : vector<16xf32>
      %select_n3A_121 = arith.select %gt3A_120, %get3A_55, %select_n3A_116 : vector<16xi1>, vector<16xf32>
      %jit3A_122 = arith.constant 11 : i32
      %broadcast_in_dim3A_123 = vector.broadcast %jit3A_122 : i32 to vector<16xi32>
      %select_n3A_124 = arith.select %gt3A_120, %broadcast_in_dim3A_123, %select_n3A_119 : vector<16xi1>, vector<16xi32>
      %gt3A_125 = arith.cmpf ogt, %get3A_59, %select_n3A_121 : vector<16xf32>
      %select_n3A_126 = arith.select %gt3A_125, %get3A_59, %select_n3A_121 : vector<16xi1>, vector<16xf32>
      %jit3A_127 = arith.constant 12 : i32
      %broadcast_in_dim3A_128 = vector.broadcast %jit3A_127 : i32 to vector<16xi32>
      %select_n3A_129 = arith.select %gt3A_125, %broadcast_in_dim3A_128, %select_n3A_124 : vector<16xi1>, vector<16xi32>
      %gt3A_130 = arith.cmpf ogt, %get3A_63, %select_n3A_126 : vector<16xf32>
      %select_n3A_131 = arith.select %gt3A_130, %get3A_63, %select_n3A_126 : vector<16xi1>, vector<16xf32>
      %jit3A_132 = arith.constant 13 : i32
      %broadcast_in_dim3A_133 = vector.broadcast %jit3A_132 : i32 to vector<16xi32>
      %select_n3A_134 = arith.select %gt3A_130, %broadcast_in_dim3A_133, %select_n3A_129 : vector<16xi1>, vector<16xi32>
      %gt3A_135 = arith.cmpf ogt, %get3A_67, %select_n3A_131 : vector<16xf32>
      %select_n3A_136 = arith.select %gt3A_135, %get3A_67, %select_n3A_131 : vector<16xi1>, vector<16xf32>
      %jit3A_137 = arith.constant 14 : i32
      %broadcast_in_dim3A_138 = vector.broadcast %jit3A_137 : i32 to vector<16xi32>
      %select_n3A_139 = arith.select %gt3A_135, %broadcast_in_dim3A_138, %select_n3A_134 : vector<16xi1>, vector<16xi32>
      %gt3A_140 = arith.cmpf ogt, %get3A_71, %select_n3A_136 : vector<16xf32>
      %select_n3A_141 = arith.select %gt3A_140, %get3A_71, %select_n3A_136 : vector<16xi1>, vector<16xf32>
      %jit3A_142 = arith.constant 15 : i32
      %broadcast_in_dim3A_143 = vector.broadcast %jit3A_142 : i32 to vector<16xi32>
      %select_n3A_144 = arith.select %gt3A_140, %broadcast_in_dim3A_143, %select_n3A_139 : vector<16xi1>, vector<16xi32>
      %broadcast_in_dim3A_145 = arith.constant -1.000000e+00 : f32
      %broadcast_in_dim3A_146 = vector.broadcast %broadcast_in_dim3A_145 : f32 to vector<16xf32>
      %broadcast_in_dim3A_147 = arith.constant 0 : i32
      %broadcast_in_dim3A_148 = vector.broadcast %broadcast_in_dim3A_147 : i32 to vector<16xi32>
      %eq3A = arith.constant 0 : i32
      %eq3A_149 = vector.broadcast %eq3A : i32 to vector<16xi32>
      %eq3A_150 = arith.cmpi eq, %select_n3A_144, %eq3A_149 : vector<16xi32>
      %jit3A_151 = arith.constant -1.000000e+00 : f32
      %broadcast_in_dim3A_152 = vector.broadcast %jit3A_151 : f32 to vector<16xf32>
      %select_n3A_153 = arith.select %eq3A_150, %broadcast_in_dim3A_152, %get3A_11 : vector<16xi1>, vector<16xf32>
      %gt3A_154 = arith.cmpf ogt, %select_n3A_153, %broadcast_in_dim3A_146 : vector<16xf32>
      %select_n3A_155 = arith.select %gt3A_154, %select_n3A_153, %broadcast_in_dim3A_146 : vector<16xi1>, vector<16xf32>
      %jit3A_156 = arith.constant 0 : i32
      %broadcast_in_dim3A_157 = vector.broadcast %jit3A_156 : i32 to vector<16xi32>
      %select_n3A_158 = arith.select %gt3A_154, %broadcast_in_dim3A_157, %broadcast_in_dim3A_148 : vector<16xi1>, vector<16xi32>
      %eq3A_159 = arith.constant 1 : i32
      %eq3A_160 = vector.broadcast %eq3A_159 : i32 to vector<16xi32>
      %eq3A_161 = arith.cmpi eq, %select_n3A_144, %eq3A_160 : vector<16xi32>
      %jit3A_162 = arith.constant -1.000000e+00 : f32
      %broadcast_in_dim3A_163 = vector.broadcast %jit3A_162 : f32 to vector<16xf32>
      %select_n3A_164 = arith.select %eq3A_161, %broadcast_in_dim3A_163, %get3A_15 : vector<16xi1>, vector<16xf32>
      %gt3A_165 = arith.cmpf ogt, %select_n3A_164, %select_n3A_155 : vector<16xf32>
      %select_n3A_166 = arith.select %gt3A_165, %select_n3A_164, %select_n3A_155 : vector<16xi1>, vector<16xf32>
      %jit3A_167 = arith.constant 1 : i32
      %broadcast_in_dim3A_168 = vector.broadcast %jit3A_167 : i32 to vector<16xi32>
      %select_n3A_169 = arith.select %gt3A_165, %broadcast_in_dim3A_168, %select_n3A_158 : vector<16xi1>, vector<16xi32>
      %eq3A_170 = arith.constant 2 : i32
      %eq3A_171 = vector.broadcast %eq3A_170 : i32 to vector<16xi32>
      %eq3A_172 = arith.cmpi eq, %select_n3A_144, %eq3A_171 : vector<16xi32>
      %jit3A_173 = arith.constant -1.000000e+00 : f32
      %broadcast_in_dim3A_174 = vector.broadcast %jit3A_173 : f32 to vector<16xf32>
      %select_n3A_175 = arith.select %eq3A_172, %broadcast_in_dim3A_174, %get3A_19 : vector<16xi1>, vector<16xf32>
      %gt3A_176 = arith.cmpf ogt, %select_n3A_175, %select_n3A_166 : vector<16xf32>
      %select_n3A_177 = arith.select %gt3A_176, %select_n3A_175, %select_n3A_166 : vector<16xi1>, vector<16xf32>
      %jit3A_178 = arith.constant 2 : i32
      %broadcast_in_dim3A_179 = vector.broadcast %jit3A_178 : i32 to vector<16xi32>
      %select_n3A_180 = arith.select %gt3A_176, %broadcast_in_dim3A_179, %select_n3A_169 : vector<16xi1>, vector<16xi32>
      %eq3A_181 = arith.constant 3 : i32
      %eq3A_182 = vector.broadcast %eq3A_181 : i32 to vector<16xi32>
      %eq3A_183 = arith.cmpi eq, %select_n3A_144, %eq3A_182 : vector<16xi32>
      %jit3A_184 = arith.constant -1.000000e+00 : f32
      %broadcast_in_dim3A_185 = vector.broadcast %jit3A_184 : f32 to vector<16xf32>
      %select_n3A_186 = arith.select %eq3A_183, %broadcast_in_dim3A_185, %get3A_23 : vector<16xi1>, vector<16xf32>
      %gt3A_187 = arith.cmpf ogt, %select_n3A_186, %select_n3A_177 : vector<16xf32>
      %select_n3A_188 = arith.select %gt3A_187, %select_n3A_186, %select_n3A_177 : vector<16xi1>, vector<16xf32>
      %jit3A_189 = arith.constant 3 : i32
      %broadcast_in_dim3A_190 = vector.broadcast %jit3A_189 : i32 to vector<16xi32>
      %select_n3A_191 = arith.select %gt3A_187, %broadcast_in_dim3A_190, %select_n3A_180 : vector<16xi1>, vector<16xi32>
      %eq3A_192 = arith.constant 4 : i32
      %eq3A_193 = vector.broadcast %eq3A_192 : i32 to vector<16xi32>
      %eq3A_194 = arith.cmpi eq, %select_n3A_144, %eq3A_193 : vector<16xi32>
      %jit3A_195 = arith.constant -1.000000e+00 : f32
      %broadcast_in_dim3A_196 = vector.broadcast %jit3A_195 : f32 to vector<16xf32>
      %select_n3A_197 = arith.select %eq3A_194, %broadcast_in_dim3A_196, %get3A_27 : vector<16xi1>, vector<16xf32>
      %gt3A_198 = arith.cmpf ogt, %select_n3A_197, %select_n3A_188 : vector<16xf32>
      %select_n3A_199 = arith.select %gt3A_198, %select_n3A_197, %select_n3A_188 : vector<16xi1>, vector<16xf32>
      %jit3A_200 = arith.constant 4 : i32
      %broadcast_in_dim3A_201 = vector.broadcast %jit3A_200 : i32 to vector<16xi32>
      %select_n3A_202 = arith.select %gt3A_198, %broadcast_in_dim3A_201, %select_n3A_191 : vector<16xi1>, vector<16xi32>
      %eq3A_203 = arith.constant 5 : i32
      %eq3A_204 = vector.broadcast %eq3A_203 : i32 to vector<16xi32>
      %eq3A_205 = arith.cmpi eq, %select_n3A_144, %eq3A_204 : vector<16xi32>
      %jit3A_206 = arith.constant -1.000000e+00 : f32
      %broadcast_in_dim3A_207 = vector.broadcast %jit3A_206 : f32 to vector<16xf32>
      %select_n3A_208 = arith.select %eq3A_205, %broadcast_in_dim3A_207, %get3A_31 : vector<16xi1>, vector<16xf32>
      %gt3A_209 = arith.cmpf ogt, %select_n3A_208, %select_n3A_199 : vector<16xf32>
      %select_n3A_210 = arith.select %gt3A_209, %select_n3A_208, %select_n3A_199 : vector<16xi1>, vector<16xf32>
      %jit3A_211 = arith.constant 5 : i32
      %broadcast_in_dim3A_212 = vector.broadcast %jit3A_211 : i32 to vector<16xi32>
      %select_n3A_213 = arith.select %gt3A_209, %broadcast_in_dim3A_212, %select_n3A_202 : vector<16xi1>, vector<16xi32>
      %eq3A_214 = arith.constant 6 : i32
      %eq3A_215 = vector.broadcast %eq3A_214 : i32 to vector<16xi32>
      %eq3A_216 = arith.cmpi eq, %select_n3A_144, %eq3A_215 : vector<16xi32>
      %jit3A_217 = arith.constant -1.000000e+00 : f32
      %broadcast_in_dim3A_218 = vector.broadcast %jit3A_217 : f32 to vector<16xf32>
      %select_n3A_219 = arith.select %eq3A_216, %broadcast_in_dim3A_218, %get3A_35 : vector<16xi1>, vector<16xf32>
      %gt3A_220 = arith.cmpf ogt, %select_n3A_219, %select_n3A_210 : vector<16xf32>
      %select_n3A_221 = arith.select %gt3A_220, %select_n3A_219, %select_n3A_210 : vector<16xi1>, vector<16xf32>
      %jit3A_222 = arith.constant 6 : i32
      %broadcast_in_dim3A_223 = vector.broadcast %jit3A_222 : i32 to vector<16xi32>
      %select_n3A_224 = arith.select %gt3A_220, %broadcast_in_dim3A_223, %select_n3A_213 : vector<16xi1>, vector<16xi32>
      %eq3A_225 = arith.constant 7 : i32
      %eq3A_226 = vector.broadcast %eq3A_225 : i32 to vector<16xi32>
      %eq3A_227 = arith.cmpi eq, %select_n3A_144, %eq3A_226 : vector<16xi32>
      %jit3A_228 = arith.constant -1.000000e+00 : f32
      %broadcast_in_dim3A_229 = vector.broadcast %jit3A_228 : f32 to vector<16xf32>
      %select_n3A_230 = arith.select %eq3A_227, %broadcast_in_dim3A_229, %get3A_39 : vector<16xi1>, vector<16xf32>
      %gt3A_231 = arith.cmpf ogt, %select_n3A_230, %select_n3A_221 : vector<16xf32>
      %select_n3A_232 = arith.select %gt3A_231, %select_n3A_230, %select_n3A_221 : vector<16xi1>, vector<16xf32>
      %jit3A_233 = arith.constant 7 : i32
      %broadcast_in_dim3A_234 = vector.broadcast %jit3A_233 : i32 to vector<16xi32>
      %select_n3A_235 = arith.select %gt3A_231, %broadcast_in_dim3A_234, %select_n3A_224 : vector<16xi1>, vector<16xi32>
      %eq3A_236 = arith.constant 8 : i32
      %eq3A_237 = vector.broadcast %eq3A_236 : i32 to vector<16xi32>
      %eq3A_238 = arith.cmpi eq, %select_n3A_144, %eq3A_237 : vector<16xi32>
      %jit3A_239 = arith.constant -1.000000e+00 : f32
      %broadcast_in_dim3A_240 = vector.broadcast %jit3A_239 : f32 to vector<16xf32>
      %select_n3A_241 = arith.select %eq3A_238, %broadcast_in_dim3A_240, %get3A_43 : vector<16xi1>, vector<16xf32>
      %gt3A_242 = arith.cmpf ogt, %select_n3A_241, %select_n3A_232 : vector<16xf32>
      %select_n3A_243 = arith.select %gt3A_242, %select_n3A_241, %select_n3A_232 : vector<16xi1>, vector<16xf32>
      %jit3A_244 = arith.constant 8 : i32
      %broadcast_in_dim3A_245 = vector.broadcast %jit3A_244 : i32 to vector<16xi32>
      %select_n3A_246 = arith.select %gt3A_242, %broadcast_in_dim3A_245, %select_n3A_235 : vector<16xi1>, vector<16xi32>
      %eq3A_247 = arith.constant 9 : i32
      %eq3A_248 = vector.broadcast %eq3A_247 : i32 to vector<16xi32>
      %eq3A_249 = arith.cmpi eq, %select_n3A_144, %eq3A_248 : vector<16xi32>
      %jit3A_250 = arith.constant -1.000000e+00 : f32
      %broadcast_in_dim3A_251 = vector.broadcast %jit3A_250 : f32 to vector<16xf32>
      %select_n3A_252 = arith.select %eq3A_249, %broadcast_in_dim3A_251, %get3A_47 : vector<16xi1>, vector<16xf32>
      %gt3A_253 = arith.cmpf ogt, %select_n3A_252, %select_n3A_243 : vector<16xf32>
      %select_n3A_254 = arith.select %gt3A_253, %select_n3A_252, %select_n3A_243 : vector<16xi1>, vector<16xf32>
      %jit3A_255 = arith.constant 9 : i32
      %broadcast_in_dim3A_256 = vector.broadcast %jit3A_255 : i32 to vector<16xi32>
      %select_n3A_257 = arith.select %gt3A_253, %broadcast_in_dim3A_256, %select_n3A_246 : vector<16xi1>, vector<16xi32>
      %eq3A_258 = arith.constant 10 : i32
      %eq3A_259 = vector.broadcast %eq3A_258 : i32 to vector<16xi32>
      %eq3A_260 = arith.cmpi eq, %select_n3A_144, %eq3A_259 : vector<16xi32>
      %jit3A_261 = arith.constant -1.000000e+00 : f32
      %broadcast_in_dim3A_262 = vector.broadcast %jit3A_261 : f32 to vector<16xf32>
      %select_n3A_263 = arith.select %eq3A_260, %broadcast_in_dim3A_262, %get3A_51 : vector<16xi1>, vector<16xf32>
      %gt3A_264 = arith.cmpf ogt, %select_n3A_263, %select_n3A_254 : vector<16xf32>
      %select_n3A_265 = arith.select %gt3A_264, %select_n3A_263, %select_n3A_254 : vector<16xi1>, vector<16xf32>
      %jit3A_266 = arith.constant 10 : i32
      %broadcast_in_dim3A_267 = vector.broadcast %jit3A_266 : i32 to vector<16xi32>
      %select_n3A_268 = arith.select %gt3A_264, %broadcast_in_dim3A_267, %select_n3A_257 : vector<16xi1>, vector<16xi32>
      %eq3A_269 = arith.constant 11 : i32
      %eq3A_270 = vector.broadcast %eq3A_269 : i32 to vector<16xi32>
      %eq3A_271 = arith.cmpi eq, %select_n3A_144, %eq3A_270 : vector<16xi32>
      %jit3A_272 = arith.constant -1.000000e+00 : f32
      %broadcast_in_dim3A_273 = vector.broadcast %jit3A_272 : f32 to vector<16xf32>
      %select_n3A_274 = arith.select %eq3A_271, %broadcast_in_dim3A_273, %get3A_55 : vector<16xi1>, vector<16xf32>
      %gt3A_275 = arith.cmpf ogt, %select_n3A_274, %select_n3A_265 : vector<16xf32>
      %select_n3A_276 = arith.select %gt3A_275, %select_n3A_274, %select_n3A_265 : vector<16xi1>, vector<16xf32>
      %jit3A_277 = arith.constant 11 : i32
      %broadcast_in_dim3A_278 = vector.broadcast %jit3A_277 : i32 to vector<16xi32>
      %select_n3A_279 = arith.select %gt3A_275, %broadcast_in_dim3A_278, %select_n3A_268 : vector<16xi1>, vector<16xi32>
      %eq3A_280 = arith.constant 12 : i32
      %eq3A_281 = vector.broadcast %eq3A_280 : i32 to vector<16xi32>
      %eq3A_282 = arith.cmpi eq, %select_n3A_144, %eq3A_281 : vector<16xi32>
      %jit3A_283 = arith.constant -1.000000e+00 : f32
      %broadcast_in_dim3A_284 = vector.broadcast %jit3A_283 : f32 to vector<16xf32>
      %select_n3A_285 = arith.select %eq3A_282, %broadcast_in_dim3A_284, %get3A_59 : vector<16xi1>, vector<16xf32>
      %gt3A_286 = arith.cmpf ogt, %select_n3A_285, %select_n3A_276 : vector<16xf32>
      %select_n3A_287 = arith.select %gt3A_286, %select_n3A_285, %select_n3A_276 : vector<16xi1>, vector<16xf32>
      %jit3A_288 = arith.constant 12 : i32
      %broadcast_in_dim3A_289 = vector.broadcast %jit3A_288 : i32 to vector<16xi32>
      %select_n3A_290 = arith.select %gt3A_286, %broadcast_in_dim3A_289, %select_n3A_279 : vector<16xi1>, vector<16xi32>
      %eq3A_291 = arith.constant 13 : i32
      %eq3A_292 = vector.broadcast %eq3A_291 : i32 to vector<16xi32>
      %eq3A_293 = arith.cmpi eq, %select_n3A_144, %eq3A_292 : vector<16xi32>
      %jit3A_294 = arith.constant -1.000000e+00 : f32
      %broadcast_in_dim3A_295 = vector.broadcast %jit3A_294 : f32 to vector<16xf32>
      %select_n3A_296 = arith.select %eq3A_293, %broadcast_in_dim3A_295, %get3A_63 : vector<16xi1>, vector<16xf32>
      %gt3A_297 = arith.cmpf ogt, %select_n3A_296, %select_n3A_287 : vector<16xf32>
      %select_n3A_298 = arith.select %gt3A_297, %select_n3A_296, %select_n3A_287 : vector<16xi1>, vector<16xf32>
      %jit3A_299 = arith.constant 13 : i32
      %broadcast_in_dim3A_300 = vector.broadcast %jit3A_299 : i32 to vector<16xi32>
      %select_n3A_301 = arith.select %gt3A_297, %broadcast_in_dim3A_300, %select_n3A_290 : vector<16xi1>, vector<16xi32>
      %eq3A_302 = arith.constant 14 : i32
      %eq3A_303 = vector.broadcast %eq3A_302 : i32 to vector<16xi32>
      %eq3A_304 = arith.cmpi eq, %select_n3A_144, %eq3A_303 : vector<16xi32>
      %jit3A_305 = arith.constant -1.000000e+00 : f32
      %broadcast_in_dim3A_306 = vector.broadcast %jit3A_305 : f32 to vector<16xf32>
      %select_n3A_307 = arith.select %eq3A_304, %broadcast_in_dim3A_306, %get3A_67 : vector<16xi1>, vector<16xf32>
      %gt3A_308 = arith.cmpf ogt, %select_n3A_307, %select_n3A_298 : vector<16xf32>
      %select_n3A_309 = arith.select %gt3A_308, %select_n3A_307, %select_n3A_298 : vector<16xi1>, vector<16xf32>
      %jit3A_310 = arith.constant 14 : i32
      %broadcast_in_dim3A_311 = vector.broadcast %jit3A_310 : i32 to vector<16xi32>
      %select_n3A_312 = arith.select %gt3A_308, %broadcast_in_dim3A_311, %select_n3A_301 : vector<16xi1>, vector<16xi32>
      %eq3A_313 = arith.constant 15 : i32
      %eq3A_314 = vector.broadcast %eq3A_313 : i32 to vector<16xi32>
      %eq3A_315 = arith.cmpi eq, %select_n3A_144, %eq3A_314 : vector<16xi32>
      %jit3A_316 = arith.constant -1.000000e+00 : f32
      %broadcast_in_dim3A_317 = vector.broadcast %jit3A_316 : f32 to vector<16xf32>
      %select_n3A_318 = arith.select %eq3A_315, %broadcast_in_dim3A_317, %get3A_71 : vector<16xi1>, vector<16xf32>
      %gt3A_319 = arith.cmpf ogt, %select_n3A_318, %select_n3A_309 : vector<16xf32>
      %select_n3A_320 = arith.select %gt3A_319, %select_n3A_318, %select_n3A_309 : vector<16xi1>, vector<16xf32>
      %jit3A_321 = arith.constant 15 : i32
      %broadcast_in_dim3A_322 = vector.broadcast %jit3A_321 : i32 to vector<16xi32>
      %select_n3A_323 = arith.select %gt3A_319, %broadcast_in_dim3A_322, %select_n3A_312 : vector<16xi1>, vector<16xi32>
      %swap3A = arith.constant 0 : i32
      %swap3A_324 = arith.index_cast %swap3A : i32 to index
      %swap3A_325 = arith.index_cast %mul3A_8 : i32 to index
      %swap3A_326 = tpu.vector_load %arg6[%swap3A_324, %swap3A_325] {strides = array<i32>} : memref<2x512xf32, #tpu.memory_space<vmem>>, vector<16xf32>,
      tpu.vector_store %arg6[%swap3A_324, %swap3A_325], %select_n3A_141 {strides = array<i32>} : memref<2x512xf32, #tpu.memory_space<vmem>>, vector<16xf32>,
      %swap3A_327 = arith.constant 1 : i32
      %swap3A_328 = arith.index_cast %swap3A_327 : i32 to index
      %swap3A_329 = arith.index_cast %mul3A_8 : i32 to index
      %swap3A_330 = tpu.vector_load %arg6[%swap3A_328, %swap3A_329] {strides = array<i32>} : memref<2x512xf32, #tpu.memory_space<vmem>>, vector<16xf32>,
      tpu.vector_store %arg6[%swap3A_328, %swap3A_329], %select_n3A_320 {strides = array<i32>} : memref<2x512xf32, #tpu.memory_space<vmem>>, vector<16xf32>,
      %swap3A_331 = arith.constant 0 : i32
      %swap3A_332 = arith.index_cast %swap3A_331 : i32 to index
      %swap3A_333 = arith.index_cast %mul3A_8 : i32 to index
      %swap3A_334 = tpu.vector_load %arg7[%swap3A_332, %swap3A_333] {strides = array<i32>} : memref<2x512xi32, #tpu.memory_space<vmem>>, vector<16xi32>,
      tpu.vector_store %arg7[%swap3A_332, %swap3A_333], %select_n3A_144 {strides = array<i32>} : memref<2x512xi32, #tpu.memory_space<vmem>>, vector<16xi32>,
      %swap3A_335 = arith.constant 1 : i32
      %swap3A_336 = arith.index_cast %swap3A_335 : i32 to index
      %swap3A_337 = arith.index_cast %mul3A_8 : i32 to index
      %swap3A_338 = tpu.vector_load %arg7[%swap3A_336, %swap3A_337] {strides = array<i32>} : memref<2x512xi32, #tpu.memory_space<vmem>>, vector<16xi32>,
      tpu.vector_store %arg7[%swap3A_336, %swap3A_337], %select_n3A_323 {strides = array<i32>} : memref<2x512xi32, #tpu.memory_space<vmem>>, vector<16xi32>,
      %scan3A_339 = arith.constant 1 : i32
      %scan3A_340 = arith.addi %scan3A_6, %scan3A_339 : i32
      %mul3A_341 = arith.constant 16 : i32
      %mul3A_342 = arith.muli %scan3A_340, %mul3A_341 : i32
      %get3A_343 = arith.constant 0 : i32
      %get3A_344 = arith.index_cast %get3A_343 : i32 to index
      %get3A_345 = arith.index_cast %mul3A_342 : i32 to index
      %get3A_346 = tpu.vector_load %arg5[%get3A_344, %get3A_345] {strides = array<i32>} : memref<16x512xf32, #tpu.memory_space<vmem>>, vector<16xf32>,
      %get3A_347 = arith.constant 1 : i32
      %get3A_348 = arith.index_cast %get3A_347 : i32 to index
      %get3A_349 = arith.index_cast %mul3A_342 : i32 to index
      %get3A_350 = tpu.vector_load %arg5[%get3A_348, %get3A_349] {strides = array<i32>} : memref<16x512xf32, #tpu.memory_space<vmem>>, vector<16xf32>,
      %get3A_351 = arith.constant 2 : i32
      %get3A_352 = arith.index_cast %get3A_351 : i32 to index
      %get3A_353 = arith.index_cast %mul3A_342 : i32 to index
      %get3A_354 = tpu.vector_load %arg5[%get3A_352, %get3A_353] {strides = array<i32>} : memref<16x512xf32, #tpu.memory_space<vmem>>, vector<16xf32>,
      %get3A_355 = arith.constant 3 : i32
      %get3A_356 = arith.index_cast %get3A_355 : i32 to index
      %get3A_357 = arith.index_cast %mul3A_342 : i32 to index
      %get3A_358 = tpu.vector_load %arg5[%get3A_356, %get3A_357] {strides = array<i32>} : memref<16x512xf32, #tpu.memory_space<vmem>>, vector<16xf32>,
      %get3A_359 = arith.constant 4 : i32
      %get3A_360 = arith.index_cast %get3A_359 : i32 to index
      %get3A_361 = arith.index_cast %mul3A_342 : i32 to index
      %get3A_362 = tpu.vector_load %arg5[%get3A_360, %get3A_361] {strides = array<i32>} : memref<16x512xf32, #tpu.memory_space<vmem>>, vector<16xf32>,
      %get3A_363 = arith.constant 5 : i32
      %get3A_364 = arith.index_cast %get3A_363 : i32 to index
      %get3A_365 = arith.index_cast %mul3A_342 : i32 to index
      %get3A_366 = tpu.vector_load %arg5[%get3A_364, %get3A_365] {strides = array<i32>} : memref<16x512xf32, #tpu.memory_space<vmem>>, vector<16xf32>,
      %get3A_367 = arith.constant 6 : i32
      %get3A_368 = arith.index_cast %get3A_367 : i32 to index
      %get3A_369 = arith.index_cast %mul3A_342 : i32 to index
      %get3A_370 = tpu.vector_load %arg5[%get3A_368, %get3A_369] {strides = array<i32>} : memref<16x512xf32, #tpu.memory_space<vmem>>, vector<16xf32>,
      %get3A_371 = arith.constant 7 : i32
      %get3A_372 = arith.index_cast %get3A_371 : i32 to index
      %get3A_373 = arith.index_cast %mul3A_342 : i32 to index
      %get3A_374 = tpu.vector_load %arg5[%get3A_372, %get3A_373] {strides = array<i32>} : memref<16x512xf32, #tpu.memory_space<vmem>>, vector<16xf32>,
      %get3A_375 = arith.constant 8 : i32
      %get3A_376 = arith.index_cast %get3A_375 : i32 to index
      %get3A_377 = arith.index_cast %mul3A_342 : i32 to index
      %get3A_378 = tpu.vector_load %arg5[%get3A_376, %get3A_377] {strides = array<i32>} : memref<16x512xf32, #tpu.memory_space<vmem>>, vector<16xf32>,
      %get3A_379 = arith.constant 9 : i32
      %get3A_380 = arith.index_cast %get3A_379 : i32 to index
      %get3A_381 = arith.index_cast %mul3A_342 : i32 to index
      %get3A_382 = tpu.vector_load %arg5[%get3A_380, %get3A_381] {strides = array<i32>} : memref<16x512xf32, #tpu.memory_space<vmem>>, vector<16xf32>,
      %get3A_383 = arith.constant 10 : i32
      %get3A_384 = arith.index_cast %get3A_383 : i32 to index
      %get3A_385 = arith.index_cast %mul3A_342 : i32 to index
      %get3A_386 = tpu.vector_load %arg5[%get3A_384, %get3A_385] {strides = array<i32>} : memref<16x512xf32, #tpu.memory_space<vmem>>, vector<16xf32>,
      %get3A_387 = arith.constant 11 : i32
      %get3A_388 = arith.index_cast %get3A_387 : i32 to index
      %get3A_389 = arith.index_cast %mul3A_342 : i32 to index
      %get3A_390 = tpu.vector_load %arg5[%get3A_388, %get3A_389] {strides = array<i32>} : memref<16x512xf32, #tpu.memory_space<vmem>>, vector<16xf32>,
      %get3A_391 = arith.constant 12 : i32
      %get3A_392 = arith.index_cast %get3A_391 : i32 to index
      %get3A_393 = arith.index_cast %mul3A_342 : i32 to index
      %get3A_394 = tpu.vector_load %arg5[%get3A_392, %get3A_393] {strides = array<i32>} : memref<16x512xf32, #tpu.memory_space<vmem>>, vector<16xf32>,
      %get3A_395 = arith.constant 13 : i32
      %get3A_396 = arith.index_cast %get3A_395 : i32 to index
      %get3A_397 = arith.index_cast %mul3A_342 : i32 to index
      %get3A_398 = tpu.vector_load %arg5[%get3A_396, %get3A_397] {strides = array<i32>} : memref<16x512xf32, #tpu.memory_space<vmem>>, vector<16xf32>,
      %get3A_399 = arith.constant 14 : i32
      %get3A_400 = arith.index_cast %get3A_399 : i32 to index
      %get3A_401 = arith.index_cast %mul3A_342 : i32 to index
      %get3A_402 = tpu.vector_load %arg5[%get3A_400, %get3A_401] {strides = array<i32>} : memref<16x512xf32, #tpu.memory_space<vmem>>, vector<16xf32>,
      %get3A_403 = arith.constant 15 : i32
      %get3A_404 = arith.index_cast %get3A_403 : i32 to index
      %get3A_405 = arith.index_cast %mul3A_342 : i32 to index
      %get3A_406 = tpu.vector_load %arg5[%get3A_404, %get3A_405] {strides = array<i32>} : memref<16x512xf32, #tpu.memory_space<vmem>>, vector<16xf32>,
      %broadcast_in_dim3A_407 = arith.constant 0 : i32
      %broadcast_in_dim3A_408 = vector.broadcast %broadcast_in_dim3A_407 : i32 to vector<16xi32>
      %gt3A_409 = arith.cmpf ogt, %get3A_350, %get3A_346 : vector<16xf32>
      %select_n3A_410 = arith.select %gt3A_409, %get3A_350, %get3A_346 : vector<16xi1>, vector<16xf32>
      %jit3A_411 = arith.constant 1 : i32
      %broadcast_in_dim3A_412 = vector.broadcast %jit3A_411 : i32 to vector<16xi32>
      %select_n3A_413 = arith.select %gt3A_409, %broadcast_in_dim3A_412, %broadcast_in_dim3A_408 : vector<16xi1>, vector<16xi32>
      %gt3A_414 = arith.cmpf ogt, %get3A_354, %select_n3A_410 : vector<16xf32>
      %select_n3A_415 = arith.select %gt3A_414, %get3A_354, %select_n3A_410 : vector<16xi1>, vector<16xf32>
      %jit3A_416 = arith.constant 2 : i32
      %broadcast_in_dim3A_417 = vector.broadcast %jit3A_416 : i32 to vector<16xi32>
      %select_n3A_418 = arith.select %gt3A_414, %broadcast_in_dim3A_417, %select_n3A_413 : vector<16xi1>, vector<16xi32>
      %gt3A_419 = arith.cmpf ogt, %get3A_358, %select_n3A_415 : vector<16xf32>
      %select_n3A_420 = arith.select %gt3A_419, %get3A_358, %select_n3A_415 : vector<16xi1>, vector<16xf32>
      %jit3A_421 = arith.constant 3 : i32
      %broadcast_in_dim3A_422 = vector.broadcast %jit3A_421 : i32 to vector<16xi32>
      %select_n3A_423 = arith.select %gt3A_419, %broadcast_in_dim3A_422, %select_n3A_418 : vector<16xi1>, vector<16xi32>
      %gt3A_424 = arith.cmpf ogt, %get3A_362, %select_n3A_420 : vector<16xf32>
      %select_n3A_425 = arith.select %gt3A_424, %get3A_362, %select_n3A_420 : vector<16xi1>, vector<16xf32>
      %jit3A_426 = arith.constant 4 : i32
      %broadcast_in_dim3A_427 = vector.broadcast %jit3A_426 : i32 to vector<16xi32>
      %select_n3A_428 = arith.select %gt3A_424, %broadcast_in_dim3A_427, %select_n3A_423 : vector<16xi1>, vector<16xi32>
      %gt3A_429 = arith.cmpf ogt, %get3A_366, %select_n3A_425 : vector<16xf32>
      %select_n3A_430 = arith.select %gt3A_429, %get3A_366, %select_n3A_425 : vector<16xi1>, vector<16xf32>
      %jit3A_431 = arith.constant 5 : i32
      %broadcast_in_dim3A_432 = vector.broadcast %jit3A_431 : i32 to vector<16xi32>
      %select_n3A_433 = arith.select %gt3A_429, %broadcast_in_dim3A_432, %select_n3A_428 : vector<16xi1>, vector<16xi32>
      %gt3A_434 = arith.cmpf ogt, %get3A_370, %select_n3A_430 : vector<16xf32>
      %select_n3A_435 = arith.select %gt3A_434, %get3A_370, %select_n3A_430 : vector<16xi1>, vector<16xf32>
      %jit3A_436 = arith.constant 6 : i32
      %broadcast_in_dim3A_437 = vector.broadcast %jit3A_436 : i32 to vector<16xi32>
      %select_n3A_438 = arith.select %gt3A_434, %broadcast_in_dim3A_437, %select_n3A_433 : vector<16xi1>, vector<16xi32>
      %gt3A_439 = arith.cmpf ogt, %get3A_374, %select_n3A_435 : vector<16xf32>
      %select_n3A_440 = arith.select %gt3A_439, %get3A_374, %select_n3A_435 : vector<16xi1>, vector<16xf32>
      %jit3A_441 = arith.constant 7 : i32
      %broadcast_in_dim3A_442 = vector.broadcast %jit3A_441 : i32 to vector<16xi32>
      %select_n3A_443 = arith.select %gt3A_439, %broadcast_in_dim3A_442, %select_n3A_438 : vector<16xi1>, vector<16xi32>
      %gt3A_444 = arith.cmpf ogt, %get3A_378, %select_n3A_440 : vector<16xf32>
      %select_n3A_445 = arith.select %gt3A_444, %get3A_378, %select_n3A_440 : vector<16xi1>, vector<16xf32>
      %jit3A_446 = arith.constant 8 : i32
      %broadcast_in_dim3A_447 = vector.broadcast %jit3A_446 : i32 to vector<16xi32>
      %select_n3A_448 = arith.select %gt3A_444, %broadcast_in_dim3A_447, %select_n3A_443 : vector<16xi1>, vector<16xi32>
      %gt3A_449 = arith.cmpf ogt, %get3A_382, %select_n3A_445 : vector<16xf32>
      %select_n3A_450 = arith.select %gt3A_449, %get3A_382, %select_n3A_445 : vector<16xi1>, vector<16xf32>
      %jit3A_451 = arith.constant 9 : i32
      %broadcast_in_dim3A_452 = vector.broadcast %jit3A_451 : i32 to vector<16xi32>
      %select_n3A_453 = arith.select %gt3A_449, %broadcast_in_dim3A_452, %select_n3A_448 : vector<16xi1>, vector<16xi32>
      %gt3A_454 = arith.cmpf ogt, %get3A_386, %select_n3A_450 : vector<16xf32>
      %select_n3A_455 = arith.select %gt3A_454, %get3A_386, %select_n3A_450 : vector<16xi1>, vector<16xf32>
      %jit3A_456 = arith.constant 10 : i32
      %broadcast_in_dim3A_457 = vector.broadcast %jit3A_456 : i32 to vector<16xi32>
      %select_n3A_458 = arith.select %gt3A_454, %broadcast_in_dim3A_457, %select_n3A_453 : vector<16xi1>, vector<16xi32>
      %gt3A_459 = arith.cmpf ogt, %get3A_390, %select_n3A_455 : vector<16xf32>
      %select_n3A_460 = arith.select %gt3A_459, %get3A_390, %select_n3A_455 : vector<16xi1>, vector<16xf32>
      %jit3A_461 = arith.constant 11 : i32
      %broadcast_in_dim3A_462 = vector.broadcast %jit3A_461 : i32 to vector<16xi32>
      %select_n3A_463 = arith.select %gt3A_459, %broadcast_in_dim3A_462, %select_n3A_458 : vector<16xi1>, vector<16xi32>
      %gt3A_464 = arith.cmpf ogt, %get3A_394, %select_n3A_460 : vector<16xf32>
      %select_n3A_465 = arith.select %gt3A_464, %get3A_394, %select_n3A_460 : vector<16xi1>, vector<16xf32>
      %jit3A_466 = arith.constant 12 : i32
      %broadcast_in_dim3A_467 = vector.broadcast %jit3A_466 : i32 to vector<16xi32>
      %select_n3A_468 = arith.select %gt3A_464, %broadcast_in_dim3A_467, %select_n3A_463 : vector<16xi1>, vector<16xi32>
      %gt3A_469 = arith.cmpf ogt, %get3A_398, %select_n3A_465 : vector<16xf32>
      %select_n3A_470 = arith.select %gt3A_469, %get3A_398, %select_n3A_465 : vector<16xi1>, vector<16xf32>
      %jit3A_471 = arith.constant 13 : i32
      %broadcast_in_dim3A_472 = vector.broadcast %jit3A_471 : i32 to vector<16xi32>
      %select_n3A_473 = arith.select %gt3A_469, %broadcast_in_dim3A_472, %select_n3A_468 : vector<16xi1>, vector<16xi32>
      %gt3A_474 = arith.cmpf ogt, %get3A_402, %select_n3A_470 : vector<16xf32>
      %select_n3A_475 = arith.select %gt3A_474, %get3A_402, %select_n3A_470 : vector<16xi1>, vector<16xf32>
      %jit3A_476 = arith.constant 14 : i32
      %broadcast_in_dim3A_477 = vector.broadcast %jit3A_476 : i32 to vector<16xi32>
      %select_n3A_478 = arith.select %gt3A_474, %broadcast_in_dim3A_477, %select_n3A_473 : vector<16xi1>, vector<16xi32>
      %gt3A_479 = arith.cmpf ogt, %get3A_406, %select_n3A_475 : vector<16xf32>
      %select_n3A_480 = arith.select %gt3A_479, %get3A_406, %select_n3A_475 : vector<16xi1>, vector<16xf32>
      %jit3A_481 = arith.constant 15 : i32
      %broadcast_in_dim3A_482 = vector.broadcast %jit3A_481 : i32 to vector<16xi32>
      %select_n3A_483 = arith.select %gt3A_479, %broadcast_in_dim3A_482, %select_n3A_478 : vector<16xi1>, vector<16xi32>
      %broadcast_in_dim3A_484 = arith.constant -1.000000e+00 : f32
      %broadcast_in_dim3A_485 = vector.broadcast %broadcast_in_dim3A_484 : f32 to vector<16xf32>
      %broadcast_in_dim3A_486 = arith.constant 0 : i32
      %broadcast_in_dim3A_487 = vector.broadcast %broadcast_in_dim3A_486 : i32 to vector<16xi32>
      %eq3A_488 = arith.constant 0 : i32
      %eq3A_489 = vector.broadcast %eq3A_488 : i32 to vector<16xi32>
      %eq3A_490 = arith.cmpi eq, %select_n3A_483, %eq3A_489 : vector<16xi32>
      %jit3A_491 = arith.constant -1.000000e+00 : f32
      %broadcast_in_dim3A_492 = vector.broadcast %jit3A_491 : f32 to vector<16xf32>
      %select_n3A_493 = arith.select %eq3A_490, %broadcast_in_dim3A_492, %get3A_346 : vector<16xi1>, vector<16xf32>
      %gt3A_494 = arith.cmpf ogt, %select_n3A_493, %broadcast_in_dim3A_485 : vector<16xf32>
      %select_n3A_495 = arith.select %gt3A_494, %select_n3A_493, %broadcast_in_dim3A_485 : vector<16xi1>, vector<16xf32>
      %jit3A_496 = arith.constant 0 : i32
      %broadcast_in_dim3A_497 = vector.broadcast %jit3A_496 : i32 to vector<16xi32>
      %select_n3A_498 = arith.select %gt3A_494, %broadcast_in_dim3A_497, %broadcast_in_dim3A_487 : vector<16xi1>, vector<16xi32>
      %eq3A_499 = arith.constant 1 : i32
      %eq3A_500 = vector.broadcast %eq3A_499 : i32 to vector<16xi32>
      %eq3A_501 = arith.cmpi eq, %select_n3A_483, %eq3A_500 : vector<16xi32>
      %jit3A_502 = arith.constant -1.000000e+00 : f32
      %broadcast_in_dim3A_503 = vector.broadcast %jit3A_502 : f32 to vector<16xf32>
      %select_n3A_504 = arith.select %eq3A_501, %broadcast_in_dim3A_503, %get3A_350 : vector<16xi1>, vector<16xf32>
      %gt3A_505 = arith.cmpf ogt, %select_n3A_504, %select_n3A_495 : vector<16xf32>
      %select_n3A_506 = arith.select %gt3A_505, %select_n3A_504, %select_n3A_495 : vector<16xi1>, vector<16xf32>
      %jit3A_507 = arith.constant 1 : i32
      %broadcast_in_dim3A_508 = vector.broadcast %jit3A_507 : i32 to vector<16xi32>
      %select_n3A_509 = arith.select %gt3A_505, %broadcast_in_dim3A_508, %select_n3A_498 : vector<16xi1>, vector<16xi32>
      %eq3A_510 = arith.constant 2 : i32
      %eq3A_511 = vector.broadcast %eq3A_510 : i32 to vector<16xi32>
      %eq3A_512 = arith.cmpi eq, %select_n3A_483, %eq3A_511 : vector<16xi32>
      %jit3A_513 = arith.constant -1.000000e+00 : f32
      %broadcast_in_dim3A_514 = vector.broadcast %jit3A_513 : f32 to vector<16xf32>
      %select_n3A_515 = arith.select %eq3A_512, %broadcast_in_dim3A_514, %get3A_354 : vector<16xi1>, vector<16xf32>
      %gt3A_516 = arith.cmpf ogt, %select_n3A_515, %select_n3A_506 : vector<16xf32>
      %select_n3A_517 = arith.select %gt3A_516, %select_n3A_515, %select_n3A_506 : vector<16xi1>, vector<16xf32>
      %jit3A_518 = arith.constant 2 : i32
      %broadcast_in_dim3A_519 = vector.broadcast %jit3A_518 : i32 to vector<16xi32>
      %select_n3A_520 = arith.select %gt3A_516, %broadcast_in_dim3A_519, %select_n3A_509 : vector<16xi1>, vector<16xi32>
      %eq3A_521 = arith.constant 3 : i32
      %eq3A_522 = vector.broadcast %eq3A_521 : i32 to vector<16xi32>
      %eq3A_523 = arith.cmpi eq, %select_n3A_483, %eq3A_522 : vector<16xi32>
      %jit3A_524 = arith.constant -1.000000e+00 : f32
      %broadcast_in_dim3A_525 = vector.broadcast %jit3A_524 : f32 to vector<16xf32>
      %select_n3A_526 = arith.select %eq3A_523, %broadcast_in_dim3A_525, %get3A_358 : vector<16xi1>, vector<16xf32>
      %gt3A_527 = arith.cmpf ogt, %select_n3A_526, %select_n3A_517 : vector<16xf32>
      %select_n3A_528 = arith.select %gt3A_527, %select_n3A_526, %select_n3A_517 : vector<16xi1>, vector<16xf32>
      %jit3A_529 = arith.constant 3 : i32
      %broadcast_in_dim3A_530 = vector.broadcast %jit3A_529 : i32 to vector<16xi32>
      %select_n3A_531 = arith.select %gt3A_527, %broadcast_in_dim3A_530, %select_n3A_520 : vector<16xi1>, vector<16xi32>
      %eq3A_532 = arith.constant 4 : i32
      %eq3A_533 = vector.broadcast %eq3A_532 : i32 to vector<16xi32>
      %eq3A_534 = arith.cmpi eq, %select_n3A_483, %eq3A_533 : vector<16xi32>
      %jit3A_535 = arith.constant -1.000000e+00 : f32
      %broadcast_in_dim3A_536 = vector.broadcast %jit3A_535 : f32 to vector<16xf32>
      %select_n3A_537 = arith.select %eq3A_534, %broadcast_in_dim3A_536, %get3A_362 : vector<16xi1>, vector<16xf32>
      %gt3A_538 = arith.cmpf ogt, %select_n3A_537, %select_n3A_528 : vector<16xf32>
      %select_n3A_539 = arith.select %gt3A_538, %select_n3A_537, %select_n3A_528 : vector<16xi1>, vector<16xf32>
      %jit3A_540 = arith.constant 4 : i32
      %broadcast_in_dim3A_541 = vector.broadcast %jit3A_540 : i32 to vector<16xi32>
      %select_n3A_542 = arith.select %gt3A_538, %broadcast_in_dim3A_541, %select_n3A_531 : vector<16xi1>, vector<16xi32>
      %eq3A_543 = arith.constant 5 : i32
      %eq3A_544 = vector.broadcast %eq3A_543 : i32 to vector<16xi32>
      %eq3A_545 = arith.cmpi eq, %select_n3A_483, %eq3A_544 : vector<16xi32>
      %jit3A_546 = arith.constant -1.000000e+00 : f32
      %broadcast_in_dim3A_547 = vector.broadcast %jit3A_546 : f32 to vector<16xf32>
      %select_n3A_548 = arith.select %eq3A_545, %broadcast_in_dim3A_547, %get3A_366 : vector<16xi1>, vector<16xf32>
      %gt3A_549 = arith.cmpf ogt, %select_n3A_548, %select_n3A_539 : vector<16xf32>
      %select_n3A_550 = arith.select %gt3A_549, %select_n3A_548, %select_n3A_539 : vector<16xi1>, vector<16xf32>
      %jit3A_551 = arith.constant 5 : i32
      %broadcast_in_dim3A_552 = vector.broadcast %jit3A_551 : i32 to vector<16xi32>
      %select_n3A_553 = arith.select %gt3A_549, %broadcast_in_dim3A_552, %select_n3A_542 : vector<16xi1>, vector<16xi32>
      %eq3A_554 = arith.constant 6 : i32
      %eq3A_555 = vector.broadcast %eq3A_554 : i32 to vector<16xi32>
      %eq3A_556 = arith.cmpi eq, %select_n3A_483, %eq3A_555 : vector<16xi32>
      %jit3A_557 = arith.constant -1.000000e+00 : f32
      %broadcast_in_dim3A_558 = vector.broadcast %jit3A_557 : f32 to vector<16xf32>
      %select_n3A_559 = arith.select %eq3A_556, %broadcast_in_dim3A_558, %get3A_370 : vector<16xi1>, vector<16xf32>
      %gt3A_560 = arith.cmpf ogt, %select_n3A_559, %select_n3A_550 : vector<16xf32>
      %select_n3A_561 = arith.select %gt3A_560, %select_n3A_559, %select_n3A_550 : vector<16xi1>, vector<16xf32>
      %jit3A_562 = arith.constant 6 : i32
      %broadcast_in_dim3A_563 = vector.broadcast %jit3A_562 : i32 to vector<16xi32>
      %select_n3A_564 = arith.select %gt3A_560, %broadcast_in_dim3A_563, %select_n3A_553 : vector<16xi1>, vector<16xi32>
      %eq3A_565 = arith.constant 7 : i32
      %eq3A_566 = vector.broadcast %eq3A_565 : i32 to vector<16xi32>
      %eq3A_567 = arith.cmpi eq, %select_n3A_483, %eq3A_566 : vector<16xi32>
      %jit3A_568 = arith.constant -1.000000e+00 : f32
      %broadcast_in_dim3A_569 = vector.broadcast %jit3A_568 : f32 to vector<16xf32>
      %select_n3A_570 = arith.select %eq3A_567, %broadcast_in_dim3A_569, %get3A_374 : vector<16xi1>, vector<16xf32>
      %gt3A_571 = arith.cmpf ogt, %select_n3A_570, %select_n3A_561 : vector<16xf32>
      %select_n3A_572 = arith.select %gt3A_571, %select_n3A_570, %select_n3A_561 : vector<16xi1>, vector<16xf32>
      %jit3A_573 = arith.constant 7 : i32
      %broadcast_in_dim3A_574 = vector.broadcast %jit3A_573 : i32 to vector<16xi32>
      %select_n3A_575 = arith.select %gt3A_571, %broadcast_in_dim3A_574, %select_n3A_564 : vector<16xi1>, vector<16xi32>
      %eq3A_576 = arith.constant 8 : i32
      %eq3A_577 = vector.broadcast %eq3A_576 : i32 to vector<16xi32>
      %eq3A_578 = arith.cmpi eq, %select_n3A_483, %eq3A_577 : vector<16xi32>
      %jit3A_579 = arith.constant -1.000000e+00 : f32
      %broadcast_in_dim3A_580 = vector.broadcast %jit3A_579 : f32 to vector<16xf32>
      %select_n3A_581 = arith.select %eq3A_578, %broadcast_in_dim3A_580, %get3A_378 : vector<16xi1>, vector<16xf32>
      %gt3A_582 = arith.cmpf ogt, %select_n3A_581, %select_n3A_572 : vector<16xf32>
      %select_n3A_583 = arith.select %gt3A_582, %select_n3A_581, %select_n3A_572 : vector<16xi1>, vector<16xf32>
      %jit3A_584 = arith.constant 8 : i32
      %broadcast_in_dim3A_585 = vector.broadcast %jit3A_584 : i32 to vector<16xi32>
      %select_n3A_586 = arith.select %gt3A_582, %broadcast_in_dim3A_585, %select_n3A_575 : vector<16xi1>, vector<16xi32>
      %eq3A_587 = arith.constant 9 : i32
      %eq3A_588 = vector.broadcast %eq3A_587 : i32 to vector<16xi32>
      %eq3A_589 = arith.cmpi eq, %select_n3A_483, %eq3A_588 : vector<16xi32>
      %jit3A_590 = arith.constant -1.000000e+00 : f32
      %broadcast_in_dim3A_591 = vector.broadcast %jit3A_590 : f32 to vector<16xf32>
      %select_n3A_592 = arith.select %eq3A_589, %broadcast_in_dim3A_591, %get3A_382 : vector<16xi1>, vector<16xf32>
      %gt3A_593 = arith.cmpf ogt, %select_n3A_592, %select_n3A_583 : vector<16xf32>
      %select_n3A_594 = arith.select %gt3A_593, %select_n3A_592, %select_n3A_583 : vector<16xi1>, vector<16xf32>
      %jit3A_595 = arith.constant 9 : i32
      %broadcast_in_dim3A_596 = vector.broadcast %jit3A_595 : i32 to vector<16xi32>
      %select_n3A_597 = arith.select %gt3A_593, %broadcast_in_dim3A_596, %select_n3A_586 : vector<16xi1>, vector<16xi32>
      %eq3A_598 = arith.constant 10 : i32
      %eq3A_599 = vector.broadcast %eq3A_598 : i32 to vector<16xi32>
      %eq3A_600 = arith.cmpi eq, %select_n3A_483, %eq3A_599 : vector<16xi32>
      %jit3A_601 = arith.constant -1.000000e+00 : f32
      %broadcast_in_dim3A_602 = vector.broadcast %jit3A_601 : f32 to vector<16xf32>
      %select_n3A_603 = arith.select %eq3A_600, %broadcast_in_dim3A_602, %get3A_386 : vector<16xi1>, vector<16xf32>
      %gt3A_604 = arith.cmpf ogt, %select_n3A_603, %select_n3A_594 : vector<16xf32>
      %select_n3A_605 = arith.select %gt3A_604, %select_n3A_603, %select_n3A_594 : vector<16xi1>, vector<16xf32>
      %jit3A_606 = arith.constant 10 : i32
      %broadcast_in_dim3A_607 = vector.broadcast %jit3A_606 : i32 to vector<16xi32>
      %select_n3A_608 = arith.select %gt3A_604, %broadcast_in_dim3A_607, %select_n3A_597 : vector<16xi1>, vector<16xi32>
      %eq3A_609 = arith.constant 11 : i32
      %eq3A_610 = vector.broadcast %eq3A_609 : i32 to vector<16xi32>
      %eq3A_611 = arith.cmpi eq, %select_n3A_483, %eq3A_610 : vector<16xi32>
      %jit3A_612 = arith.constant -1.000000e+00 : f32
      %broadcast_in_dim3A_613 = vector.broadcast %jit3A_612 : f32 to vector<16xf32>
      %select_n3A_614 = arith.select %eq3A_611, %broadcast_in_dim3A_613, %get3A_390 : vector<16xi1>, vector<16xf32>
      %gt3A_615 = arith.cmpf ogt, %select_n3A_614, %select_n3A_605 : vector<16xf32>
      %select_n3A_616 = arith.select %gt3A_615, %select_n3A_614, %select_n3A_605 : vector<16xi1>, vector<16xf32>
      %jit3A_617 = arith.constant 11 : i32
      %broadcast_in_dim3A_618 = vector.broadcast %jit3A_617 : i32 to vector<16xi32>
      %select_n3A_619 = arith.select %gt3A_615, %broadcast_in_dim3A_618, %select_n3A_608 : vector<16xi1>, vector<16xi32>
      %eq3A_620 = arith.constant 12 : i32
      %eq3A_621 = vector.broadcast %eq3A_620 : i32 to vector<16xi32>
      %eq3A_622 = arith.cmpi eq, %select_n3A_483, %eq3A_621 : vector<16xi32>
      %jit3A_623 = arith.constant -1.000000e+00 : f32
      %broadcast_in_dim3A_624 = vector.broadcast %jit3A_623 : f32 to vector<16xf32>
      %select_n3A_625 = arith.select %eq3A_622, %broadcast_in_dim3A_624, %get3A_394 : vector<16xi1>, vector<16xf32>
      %gt3A_626 = arith.cmpf ogt, %select_n3A_625, %select_n3A_616 : vector<16xf32>
      %select_n3A_627 = arith.select %gt3A_626, %select_n3A_625, %select_n3A_616 : vector<16xi1>, vector<16xf32>
      %jit3A_628 = arith.constant 12 : i32
      %broadcast_in_dim3A_629 = vector.broadcast %jit3A_628 : i32 to vector<16xi32>
      %select_n3A_630 = arith.select %gt3A_626, %broadcast_in_dim3A_629, %select_n3A_619 : vector<16xi1>, vector<16xi32>
      %eq3A_631 = arith.constant 13 : i32
      %eq3A_632 = vector.broadcast %eq3A_631 : i32 to vector<16xi32>
      %eq3A_633 = arith.cmpi eq, %select_n3A_483, %eq3A_632 : vector<16xi32>
      %jit3A_634 = arith.constant -1.000000e+00 : f32
      %broadcast_in_dim3A_635 = vector.broadcast %jit3A_634 : f32 to vector<16xf32>
      %select_n3A_636 = arith.select %eq3A_633, %broadcast_in_dim3A_635, %get3A_398 : vector<16xi1>, vector<16xf32>
      %gt3A_637 = arith.cmpf ogt, %select_n3A_636, %select_n3A_627 : vector<16xf32>
      %select_n3A_638 = arith.select %gt3A_637, %select_n3A_636, %select_n3A_627 : vector<16xi1>, vector<16xf32>
      %jit3A_639 = arith.constant 13 : i32
      %broadcast_in_dim3A_640 = vector.broadcast %jit3A_639 : i32 to vector<16xi32>
      %select_n3A_641 = arith.select %gt3A_637, %broadcast_in_dim3A_640, %select_n3A_630 : vector<16xi1>, vector<16xi32>
      %eq3A_642 = arith.constant 14 : i32
      %eq3A_643 = vector.broadcast %eq3A_642 : i32 to vector<16xi32>
      %eq3A_644 = arith.cmpi eq, %select_n3A_483, %eq3A_643 : vector<16xi32>
      %jit3A_645 = arith.constant -1.000000e+00 : f32
      %broadcast_in_dim3A_646 = vector.broadcast %jit3A_645 : f32 to vector<16xf32>
      %select_n3A_647 = arith.select %eq3A_644, %broadcast_in_dim3A_646, %get3A_402 : vector<16xi1>, vector<16xf32>
      %gt3A_648 = arith.cmpf ogt, %select_n3A_647, %select_n3A_638 : vector<16xf32>
      %select_n3A_649 = arith.select %gt3A_648, %select_n3A_647, %select_n3A_638 : vector<16xi1>, vector<16xf32>
      %jit3A_650 = arith.constant 14 : i32
      %broadcast_in_dim3A_651 = vector.broadcast %jit3A_650 : i32 to vector<16xi32>
      %select_n3A_652 = arith.select %gt3A_648, %broadcast_in_dim3A_651, %select_n3A_641 : vector<16xi1>, vector<16xi32>
      %eq3A_653 = arith.constant 15 : i32
      %eq3A_654 = vector.broadcast %eq3A_653 : i32 to vector<16xi32>
      %eq3A_655 = arith.cmpi eq, %select_n3A_483, %eq3A_654 : vector<16xi32>
      %jit3A_656 = arith.constant -1.000000e+00 : f32
      %broadcast_in_dim3A_657 = vector.broadcast %jit3A_656 : f32 to vector<16xf32>
      %select_n3A_658 = arith.select %eq3A_655, %broadcast_in_dim3A_657, %get3A_406 : vector<16xi1>, vector<16xf32>
      %gt3A_659 = arith.cmpf ogt, %select_n3A_658, %select_n3A_649 : vector<16xf32>
      %select_n3A_660 = arith.select %gt3A_659, %select_n3A_658, %select_n3A_649 : vector<16xi1>, vector<16xf32>
      %jit3A_661 = arith.constant 15 : i32
      %broadcast_in_dim3A_662 = vector.broadcast %jit3A_661 : i32 to vector<16xi32>
      %select_n3A_663 = arith.select %gt3A_659, %broadcast_in_dim3A_662, %select_n3A_652 : vector<16xi1>, vector<16xi32>
      %swap3A_664 = arith.constant 0 : i32
      %swap3A_665 = arith.index_cast %swap3A_664 : i32 to index
      %swap3A_666 = arith.index_cast %mul3A_342 : i32 to index
      %swap3A_667 = tpu.vector_load %arg6[%swap3A_665, %swap3A_666] {strides = array<i32>} : memref<2x512xf32, #tpu.memory_space<vmem>>, vector<16xf32>,
      tpu.vector_store %arg6[%swap3A_665, %swap3A_666], %select_n3A_480 {strides = array<i32>} : memref<2x512xf32, #tpu.memory_space<vmem>>, vector<16xf32>,
      %swap3A_668 = arith.constant 1 : i32
      %swap3A_669 = arith.index_cast %swap3A_668 : i32 to index
      %swap3A_670 = arith.index_cast %mul3A_342 : i32 to index
      %swap3A_671 = tpu.vector_load %arg6[%swap3A_669, %swap3A_670] {strides = array<i32>} : memref<2x512xf32, #tpu.memory_space<vmem>>, vector<16xf32>,
      tpu.vector_store %arg6[%swap3A_669, %swap3A_670], %select_n3A_660 {strides = array<i32>} : memref<2x512xf32, #tpu.memory_space<vmem>>, vector<16xf32>,
      %swap3A_672 = arith.constant 0 : i32
      %swap3A_673 = arith.index_cast %swap3A_672 : i32 to index
      %swap3A_674 = arith.index_cast %mul3A_342 : i32 to index
      %swap3A_675 = tpu.vector_load %arg7[%swap3A_673, %swap3A_674] {strides = array<i32>} : memref<2x512xi32, #tpu.memory_space<vmem>>, vector<16xi32>,
      tpu.vector_store %arg7[%swap3A_673, %swap3A_674], %select_n3A_483 {strides = array<i32>} : memref<2x512xi32, #tpu.memory_space<vmem>>, vector<16xi32>,
      %swap3A_676 = arith.constant 1 : i32
      %swap3A_677 = arith.index_cast %swap3A_676 : i32 to index
      %swap3A_678 = arith.index_cast %mul3A_342 : i32 to index
      %swap3A_679 = tpu.vector_load %arg7[%swap3A_677, %swap3A_678] {strides = array<i32>} : memref<2x512xi32, #tpu.memory_space<vmem>>, vector<16xi32>,
      tpu.vector_store %arg7[%swap3A_677, %swap3A_678], %select_n3A_663 {strides = array<i32>} : memref<2x512xi32, #tpu.memory_space<vmem>>, vector<16xi32>,
    }
    %scan3A_5 = arith.constant 32 : i32
    "tpu.region"() ({
      %run_scoped3A = tpu.sem_alloc : memref<!tpu.dma_semaphore, #tpu.memory_space<semaphore_mem>>
      %dma_start3A = arith.constant 0 : i32
      %dma_start3A_6 = tpu.memref_slice %arg3[%dma_start3A, %mul3A_0] : memref<2x8192xf32, #tpu.memory_space<hbm>> -> memref<2x512xf32, #tpu.memory_space<hbm>>
      %dma_start3A_7 = arith.constant 0 : i32
      %dma_start3A_8 = tpu.memref_slice %arg3[%dma_start3A_7, %mul3A_0] : memref<2x8192xf32, #tpu.memory_space<hbm>> -> memref<2x512xf32, #tpu.memory_space<hbm>>
      tpu.enqueue_dma source(%arg6 : memref<2x512xf32, #tpu.memory_space<vmem>>) target(%dma_start3A_8 : memref<2x512xf32, #tpu.memory_space<hbm>>) target_semaphore(%run_scoped3A : memref<!tpu.dma_semaphore, #tpu.memory_space<semaphore_mem>>)
      %dma_wait3A = arith.constant 0 : i32
      %dma_wait3A_9 = tpu.memref_slice %arg3[%dma_wait3A, %mul3A_0] : memref<2x8192xf32, #tpu.memory_space<hbm>> -> memref<2x512xf32, #tpu.memory_space<hbm>>
      %dma_wait3A_10 = arith.constant 0 : i32
      %dma_wait3A_11 = tpu.memref_slice %arg3[%dma_wait3A_10, %mul3A_0] : memref<2x8192xf32, #tpu.memory_space<hbm>> -> memref<2x512xf32, #tpu.memory_space<hbm>>
      tpu.wait_dma2 semaphore(%run_scoped3A : memref<!tpu.dma_semaphore, #tpu.memory_space<semaphore_mem>>) src(%arg6 : memref<2x512xf32, #tpu.memory_space<vmem>>) dst(%dma_wait3A_11 : memref<2x512xf32, #tpu.memory_space<hbm>>)
      tpu.yield
    }) : () -> ()
    "tpu.region"() ({
      %run_scoped3A = tpu.sem_alloc : memref<!tpu.dma_semaphore, #tpu.memory_space<semaphore_mem>>
      %dma_start3A = arith.constant 0 : i32
      %dma_start3A_6 = tpu.memref_slice %arg4[%dma_start3A, %mul3A_0] : memref<2x8192xi32, #tpu.memory_space<hbm>> -> memref<2x512xi32, #tpu.memory_space<hbm>>
      %dma_start3A_7 = arith.constant 0 : i32
      %dma_start3A_8 = tpu.memref_slice %arg4[%dma_start3A_7, %mul3A_0] : memref<2x8192xi32, #tpu.memory_space<hbm>> -> memref<2x512xi32, #tpu.memory_space<hbm>>
      tpu.enqueue_dma source(%arg7 : memref<2x512xi32, #tpu.memory_space<vmem>>) target(%dma_start3A_8 : memref<2x512xi32, #tpu.memory_space<hbm>>) target_semaphore(%run_scoped3A : memref<!tpu.dma_semaphore, #tpu.memory_space<semaphore_mem>>)
      %dma_wait3A = arith.constant 0 : i32
      %dma_wait3A_9 = tpu.memref_slice %arg4[%dma_wait3A, %mul3A_0] : memref<2x8192xi32, #tpu.memory_space<hbm>> -> memref<2x512xi32, #tpu.memory_space<hbm>>
      %dma_wait3A_10 = arith.constant 0 : i32
      %dma_wait3A_11 = tpu.memref_slice %arg4[%dma_wait3A_10, %mul3A_0] : memref<2x8192xi32, #tpu.memory_space<hbm>> -> memref<2x512xi32, #tpu.memory_space<hbm>>
      tpu.wait_dma2 semaphore(%run_scoped3A : memref<!tpu.dma_semaphore, #tpu.memory_space<semaphore_mem>>) src(%arg7 : memref<2x512xi32, #tpu.memory_space<vmem>>) dst(%dma_wait3A_11 : memref<2x512xi32, #tpu.memory_space<hbm>>)
      tpu.yield
    }) : () -> ()
    return
  }
}

module attributes {stable_mosaic.version = 14 : i64} {
  func.func @_router_gate_body(%arg0: i32, %arg1: memref<1024x1024xf32, #tpu.memory_space<vmem>>, %arg2: memref<1024x1024xf32, #tpu.memory_space<vmem>>, %arg3: memref<16x2048xf32, #tpu.memory_space<vmem>>, %arg4: memref<16x1024xf32, #tpu.memory_space<vmem>>) attributes {dimension_semantics = [#tpu.dimension_semantics<arbitrary>], iteration_bounds = array<i64: 8>, scalar_prefetch = 0 : i64, scratch_operands = 0 : i64, tpu.core_type = #tpu.core_type<tc>, window_params = [{transform_indices = @transform_0, window_bounds = array<i64: 1024, 1024>}, {transform_indices = @transform_1, window_bounds = array<i64: 1024, 1024>}, {pipeline_mode = #tpu.pipeline_mode<synchronous>, transform_indices = @transform_2, window_bounds = array<i64: 16, 2048>}, {transform_indices = @transform_3, window_bounds = array<i64: 16, 1024>}]} {
    %get3A = arith.constant 0 : index
    %get3A_0 = arith.constant 0 : index
    %get3A_1 = vector.load %arg3[%get3A, %get3A_0] : memref<16x2048xf32, #tpu.memory_space<vmem>>, vector<16x1024xf32>
    %get3A_2 = arith.constant 0 : index
    %get3A_3 = arith.constant 0 : index
    %get3A_4 = vector.load %arg1[%get3A_2, %get3A_3] : memref<1024x1024xf32, #tpu.memory_space<vmem>>, vector<1024x1024xf32>
    %dot_general3A = arith.constant dense<0.000000e+00> : vector<16x1024xf32>
    %dot_general3A_5 = tpu.matmul %get3A_1, %get3A_4, %dot_general3A {dimension_numbers = #tpu.dot_dimension_numbers<[1], [1], [0], [0], [0, 0, 1, 0], [], []>, transpose_lhs_hint = false} : vector<16x1024xf32>, vector<1024x1024xf32>, vector<16x1024xf32> -> vector<16x1024xf32>
    %get3A_6 = arith.constant 0 : index
    %get3A_7 = arith.constant 1024 : index
    %get3A_8 = vector.load %arg3[%get3A_6, %get3A_7] : memref<16x2048xf32, #tpu.memory_space<vmem>>, vector<16x1024xf32>
    %get3A_9 = arith.constant 0 : index
    %get3A_10 = arith.constant 0 : index
    %get3A_11 = vector.load %arg2[%get3A_9, %get3A_10] : memref<1024x1024xf32, #tpu.memory_space<vmem>>, vector<1024x1024xf32>
    %dot_general3A_12 = arith.constant dense<0.000000e+00> : vector<16x1024xf32>
    %dot_general3A_13 = tpu.matmul %get3A_8, %get3A_11, %dot_general3A_12 {dimension_numbers = #tpu.dot_dimension_numbers<[1], [1], [0], [0], [0, 0, 1, 0], [], []>, transpose_lhs_hint = false} : vector<16x1024xf32>, vector<1024x1024xf32>, vector<16x1024xf32> -> vector<16x1024xf32>
    %add3A = arith.addf %dot_general3A_5, %dot_general3A_13 : vector<16x1024xf32>
    %reduce_max3A = arith.constant dense<0xFF800000> : vector<1024xf32>
    %reduce_max3A_14 = vector.multi_reduction <maximumf>, %add3A, %reduce_max3A [0] : vector<16x1024xf32> to vector<1024xf32>
    %broadcast_in_dim3A = vector.shape_cast %reduce_max3A_14 : vector<1024xf32> to vector<1x1024xf32>
    %sub3A = vector.broadcast %broadcast_in_dim3A : vector<1x1024xf32> to vector<16x1024xf32>
    %sub3A_15 = arith.subf %add3A, %sub3A : vector<16x1024xf32>
    %exp3A = math.exp %sub3A_15 : vector<16x1024xf32>
    %reduce_sum3A = arith.constant dense<0.000000e+00> : vector<1024xf32>
    %reduce_sum3A_16 = vector.multi_reduction <add>, %exp3A, %reduce_sum3A [0] : vector<16x1024xf32> to vector<1024xf32>
    %broadcast_in_dim3A_17 = vector.shape_cast %reduce_sum3A_16 : vector<1024xf32> to vector<1x1024xf32>
    %div3A = vector.broadcast %broadcast_in_dim3A_17 : vector<1x1024xf32> to vector<16x1024xf32>
    %div3A_18 = arith.divf %exp3A, %div3A : vector<16x1024xf32>
    %swap3A = arith.constant 0 : index
    %swap3A_19 = arith.constant 0 : index
    %swap3A_20 = vector.load %arg4[%swap3A, %swap3A_19] : memref<16x1024xf32, #tpu.memory_space<vmem>>, vector<16x1024xf32>
    tpu.vector_store %arg4[%swap3A, %swap3A_19], %div3A_18 {strides = array<i32>} : memref<16x1024xf32, #tpu.memory_space<vmem>>, vector<16x1024xf32>,
    return
  }
  func.func @transform_0(%arg0: i32) -> (i32, i32) {
    %c0_i32 = arith.constant 0 : i32
    %c0_i32_0 = arith.constant 0 : i32
    return %arg0, %c0_i32 : i32, i32
  }
  func.func @transform_1(%arg0: i32) -> (i32, i32) {
    %c1_i32 = arith.constant 1 : i32
    %c0_i32 = arith.constant 0 : i32
    return %arg0, %c1_i32 : i32, i32
  }
  func.func @transform_2(%arg0: i32) -> (i32, i32) {
    %c0_i32 = arith.constant 0 : i32
    %c0_i32_0 = arith.constant 0 : i32
    %c0_i32_1 = arith.constant 0 : i32
    return %c0_i32, %c0_i32_0 : i32, i32
  }
  func.func @transform_3(%arg0: i32) -> (i32, i32) {
    %c0_i32 = arith.constant 0 : i32
    %c0_i32_0 = arith.constant 0 : i32
    return %c0_i32, %arg0 : i32, i32
  }
}

</mosaic_0001>

<sc_bundles>
// kernel: kernel.4.cloned.1.call-start
scs
__scs_entry_jumppad:
0x0: {  	(pc) =	sbr.rel $0x88, $3  }
0x1: {  	(tag) =	ssettag $0x0;
	lr =	simm.s32 $0x1  }
0x2: {  	[smem:$0x3F9F] =	sst lr;
	_ =	strace $0xD0000000  }
0x3: {  	_ = 	snop  }
0x4: {  	_ = 	snop  }
0x5: {  	_ = 	snop  }
0x6: {  	_ = 	snop  }
0x7: {  	_ = 	snop  }
__scs_overlays_trampoline_lowered:
0x8: {  	[smem:$0x3FAE] =	sst s0  }
0x9: {  	[smem:$0x3FAF] =	sst s1  }
0xa: {  	[smem:$0x3FB0] =	sst s2  }
0xb: {  	[smem:$0x3FB1] =	sst s3  }
0xc: {  	[smem:$0x3FB2] =	sst s4  }
0xd: {  	[smem:$0x3FB3] =	sst s5  }
0xe: {  	[smem:$0x3FB4] =	sst s6  }
0xf: {  	[smem:$0x3FB5] =	sst s7  }
0x10: {  	[smem:$0x3FB6] =	sst s8  }
0x11: {  	[smem:$0x3FB7] =	sst s9;
	s0 =	simm.s32 @!p0 $0x0  }
0x12: {  	s1 =	sld [smem:$0x3F9D];
	s0 =	simm.s32 @p0 $0x1  }
0x13: {  	[smem:$0x3FB8] =	sst s0;
	s0 =	simm.s32 @!p1 $0x0  }
0x14: {  	s2 =	sld [smem:$0x3F9C];
	s0 =	simm.s32 @p1 $0x1  }
0x15: {  	[smem:$0x3FB9] =	sst s0;
	s0 =	simm.s32 @!p2 $0x0  }
0x16: {  	s3 =	sld [smem:$0x3FDB];
	s0 =	simm.s32 @p2 $0x1  }
0x17: {  	s4 =	simm.s32 $0x1BF5;
	[smem:$0x3FBB] =	sst s0  }
0x18: {  	s0 =	sld [smem:$0x3F9E];
	_ =	swait.ge [sflag:s4], $0x0  }
0x19: {  	s7 =	sld [smem:$0x3F9F]  }
0x1a: {  	s8 =	sadd.s32 $0xFFFFE003, lr  }
0x1b: {  	s9 =	sadd.s32 $0xFFFFFEF7, lr;
	s5 =	simm.s32 $0xFFFFFFFF;
	p2 =	slt.u32 s8, $0xFFFFF086  }
0x1c: {  	p1 =	slt.u32 s9, $0xF7A;
	s5 =	simm.s32 @!p2 $0x0  }
0x1d: {  	s5 =	simm.s32 @p1 $0x1;
	p0 =	seq.s32 s7, s2  }
0x1e: {  	s7 =	smul.u32 @!p0 $0xF7A, s2;
	p2 =	seq.s32 @!p0 s5, $0x0  }
0x1f: {  	s9 =	smul.u32 $0xF7A, s1;
	s8 =	simm.s32 @!p0 $0x1BF5;
	p2 =	por !p2, p0  }
0x20: {  	[sflag:s8] =	ssyncset.s32 @!p0 $0xFFFFF086;
	s6 =	sadd.s32 @!p0 s3, s7;
	s7 =	simm.s32 @!p0 $0x108  }
0x21: {  	s3 =	sadd.s32 s3, s9;
	s6 =	sadd.s32 @!p0 $0x88, s6;
	s7 =	simm.s32 @p2 $0x1082  }
0x22: {  	[simem:s7], [sflag:s8] =	dma.local @!p0 [hbm:s6], $0xF7A  }
0x23: {  	s9 =	sor.u32 $0xD0000000, s2;
	s6 =	simm.s32 $0x108;
	_ =	swait.ge @!p0 [sflag:s8], $0x0  }
0x24: {  	s3 =	sadd.s32 $0x88, s3;
	s6 =	simm.s32 @!p1 $0x1082;
	[sflag:s4] =	ssyncset.s32 $0xFFFFF086  }
0x25: {  	[simem:s6], [sflag:s4] =	dma.local [hbm:s3], $0xF7A  }
0x26: {  	[smem:$0x3F9F] =	sst s1;
	(tag) =	ssettag s2;
	_ =	strace s9  }
0x27: {  	s1 =	sld [smem:$0x3FAF]  }
0x28: {  	s2 =	sld [smem:$0x3FB0]  }
0x29: {  	s4 =	sld [smem:$0x3FB2]  }
0x2a: {  	p0 =	seq.s32 s5, $0x0;
	s5 =	sld [smem:$0x3FB3]  }
0x2b: {  	s6 =	sld [smem:$0x3FB4]  }
0x2c: {  	s7 =	sld [smem:$0x3FB5]  }
0x2d: {  	s3 =	simm.s32 $0x108;
	s8 =	sld [smem:$0x3FB6]  }
0x2e: {  	s3 =	simm.s32 @!p0 $0x1082;
	s9 =	sld [smem:$0x3FB7]  }
0x2f: {  	lr =	sadd.s32 s0, s3;
	s0 =	sld [smem:$0x3FAE]  }
0x30: {  	s3 =	sld [smem:$0x3FB1]  }
0x31: {  	[smem:$0x3FBA] =	sst s10  }
0x32: {  	s10 =	sld [smem:$0x3FB8];
	_ =	sdelay $0x3  }
0x33: {  	p0 =	seq.s32 s10, $0x1;
	s10 =	sld [smem:$0x3FBA];
	_ =	sdelay $0x3  }
0x34: {  	[smem:$0x3FBA] =	sst s10  }
0x35: {  	s10 =	sld [smem:$0x3FB9];
	_ =	sdelay $0x3  }
0x36: {  	p1 =	seq.s32 s10, $0x1;
	s10 =	sld [smem:$0x3FBA];
	_ =	sdelay $0x3  }
0x37: {  	[smem:$0x3FBA] =	sst s10  }
0x38: {  	s10 =	sld [smem:$0x3FBB]  }
0x39: {  	_ = 	snop;
	(pc) =	sbr.ind lr, $3  }
0x3a: {  	_ = 	snop  }
0x3b: {  	_ = 	snop  }
0x3c: {  	p2 =	seq.s32 s10, $0x1;
	s10 =	sld [smem:$0x3FBA]  }
0x3d: {  	_ =	shalt  }
0x3e: {  	_ =	shalt  }
0x3f: {  	_ =	shalt  }
0x40: {  	_ =	shalt  }
0x41: {  	_ =	shalt  }
0x42: {  	_ =	shalt  }
0x43: {  	_ =	shalt  }
0x44: {  	_ =	shalt  }
0x45: {  	_ =	shalt  }
0x46: {  	_ =	shalt  }
0x47: {  	_ =	shalt  }
0x48: {  	_ =	shalt  }
0x49: {  	_ =	shalt  }
0x4a: {  	_ =	shalt  }
0x4b: {  	_ =	shalt  }
0x4c: {  	_ =	shalt  }
0x4d: {  	_ =	shalt  }
0x4e: {  	_ =	shalt  }
0x4f: {  	_ =	shalt  }
0x50: {  	_ =	shalt  }
0x51: {  	_ =	shalt  }
0x52: {  	_ =	shalt  }
0x53: {  	_ =	shalt  }
0x54: {  	_ =	shalt  }
0x55: {  	_ =	shalt  }
0x56: {  	_ =	shalt  }
0x57: {  	_ =	shalt  }
0x58: {  	_ =	shalt  }
0x59: {  	_ =	shalt  }
0x5a: {  	_ =	shalt  }
0x5b: {  	_ =	shalt  }
0x5c: {  	_ =	shalt  }
0x5d: {  	_ =	shalt  }
0x5e: {  	_ =	shalt  }
0x5f: {  	_ =	shalt  }
0x60: {  	_ =	shalt  }
0x61: {  	_ =	shalt  }
0x62: {  	_ =	shalt  }
0x63: {  	_ =	shalt  }
0x64: {  	_ =	shalt  }
0x65: {  	_ =	shalt  }
0x66: {  	_ =	shalt  }
0x67: {  	_ =	shalt  }
0x68: {  	_ =	shalt  }
0x69: {  	_ =	shalt  }
0x6a: {  	_ =	shalt  }
0x6b: {  	_ =	shalt  }
0x6c: {  	_ =	shalt  }
0x6d: {  	_ =	shalt  }
0x6e: {  	_ =	shalt  }
0x6f: {  	_ =	shalt  }
0x70: {  	_ =	shalt  }
0x71: {  	_ =	shalt  }
0x72: {  	_ =	shalt  }
0x73: {  	_ =	shalt  }
0x74: {  	_ =	shalt  }
0x75: {  	_ =	shalt  }
0x76: {  	_ =	shalt  }
0x77: {  	_ =	shalt  }
0x78: {  	_ =	shalt  }
0x79: {  	_ =	shalt  }
0x7a: {  	_ =	shalt  }
0x7b: {  	_ =	shalt  }
0x7c: {  	_ =	shalt  }
0x7d: {  	_ =	shalt  }
0x7e: {  	_ =	shalt  }
0x7f: {  	_ =	shalt  }
0x80: {  	_ =	shalt  }
0x81: {  	_ =	shalt  }
0x82: {  	_ =	shalt  }
0x83: {  	_ =	shalt  }
0x84: {  	_ =	shalt  }
0x85: {  	_ =	shalt  }
0x86: {  	_ =	shalt  }
0x87: {  	_ =	shalt  }
.Lfunc_end0:
.L_simem_size_0:
called_computation_lowered:
.L_overlay_start_0:
0x88: {  	s0 =	sld [smem:$0x3FD9]  }
0x89: {  	s1 =	sld [smem:$0x3FFE];
	_ =	sdelay $0x3  }
0x8a: {  	s0 =	sadd.s32 s1, s0  }
0x8b: {  	[smem:$0x3FC6] =	sst s0  }
0x8c: {  	_ = 	snop  }
0x8d: {  	s0 =	sld [smem:$0x3FD0];
	_ =	sdelay $0x2  }
0x8e: {  	s14 =	simm.s32 $0xA;
	s2 =	simm.s32 $0x10  }
0x8f: {  	[smem:s2], [sflag:s14] =	dma.local [hbm:s0], $0x1  }
0x90: {  	_ =	swait.eq [sflag:s14], $0x1  }
0x91: {  	s15 =	sld [smem:$0x10];
	[sflag:s14] =	ssyncset.done $0x0  }
0x92: {  	s16 =	sld [smem:$0x11];
	[sflag:s14] =	ssyncadd.s32 $0xFFFFFFFF  }
0x93: {  	s17 =	sld [smem:$0x12];
	(tm) =	ssettm $0x1  }
0x94: {  	s3 =	sld [smem:$0x3FFB];
	_ =	sdelay $0x3  }
0x95: {  	_ =	strace s3  }
0x96: {  	s3 =	sld [smem:$0x3FFC];
	_ =	sdelay $0x3  }
0x97: {  	_ =	strace s3  }
0x98: {  	s3 =	sld [smem:$0x3FFD];
	_ =	sdelay $0x3  }
0x99: {  	_ =	strace s3  }
0x9a: {  	_ =	strace $0x8FFFFFFF  }
0x9b: {  	s18 =	sld [smem:$0x3FDB];
	_ =	sdelay $0x1  }
0x9c: {  	s4 =	simm.s32 $_scs_section_size  }
0x9d: {  	s5 =	simm.s32 $_size__tile_overlayer_lowered;
	s6 =	simm.s32 $_tile_overlayer_lowered  }
0x9e: {  	s21 =	simm.s32 $0x1BFF;
	s20 =	sshll.u32 s6, $0x1;
	s3 =	sadd.s32 s4, s18  }
0x9f: {  	s7 =	simm.s32 $0x0;
	s19 =	sshll.u32 s5, $0x1;
	s5 =	sadd.s32 s20, s3  }
0xa0: {  	[timem:s7], [sflag:s21] =	dma.local [hbm:s5], s19  }
0xa1: {  	_ =	swait.ge [sflag:s21], s19  }
0xa2: {  	s4 =	ssub.s32 $0x0, s19;
	[sflag:s21] =	ssyncset.done $0x0  }
0xa3: {  	[sflag:s21] =	ssyncadd.s32 s4;
	_ =	sdelay $0x1  }
0xa4: {  	s22 =	simm.s32 $0x1B8B  }
0xa5: {  	_ =	swait.ge [sflag:s22], $0x1  }
0xa6: {  	[sflag:s22] =	ssyncset.done $0x0  }
0xa7: {  	s23 =	simm.s32 $0x1B8E;
	[sflag:s22] =	ssyncadd.s32 $0xFFFFFFFF  }
0xa8: {  	s24 =	simm.s32 $execute0_lowered;
	[smem:$0x3FD2] =	sst s23  }
0xa9: {  	s4 =	sshll.u32 s24, $0x1;
	_ =	strace $0x80000046;
	[dreg:$0x1] =	wrdreg $0xFFFFFFFF  }
0xaa: {  	s25 =	simm.s32 $_size_execute0_lowered;
	s3 =	sadd.s32 s3, s4;
	[dreg:$0x0] =	wrdreg $0x0  }
0xab: {  	s4 =	sshll.u32 s25, $0x1;
	[dreg:$0x2] =	wrdreg s3  }
0xac: {  	[dreg:$0x3] =	wrdreg s4  }
0xad: {  	[dreg:$0x4] =	wrdreg $0xC0  }
0xae: {  	_ =	task [dreg:s7], $0x5FFFF  }
0xaf: {  	[dreg:$0x1] =	wrdreg $0xFFFFFFFF  }
0xb0: {  	[dreg:$0x0] =	wrdreg $0x60  }
0xb1: {  	[dreg:$0x2] =	wrdreg s17  }
0xb2: {  	[dreg:$0x3] =	wrdreg s15  }
0xb3: {  	[dreg:$0x4] =	wrdreg s16  }
0xb4: {  	[dreg:$0x5] =	wrdreg $0x9  }
0xb5: {  	_ =	task.clear_ibuf [dreg:s7], $0x6FFFF;
	_ =	strace $0x90000046  }
0xb6: {  	s26 =	simm.s32 $0x9;
	_ =	strace $0x80000048  }
0xb7: {  	_ =	swait.ge [sflag:s26], $0x1  }
0xb8: {  	[sflag:s26] =	ssyncadd.s32 $0xFFFFFFFF  }
0xb9: {  	_ =	strace $0x90000048  }
0xba: {  	_ =	sfence  }
0xbb: {  	s28 =	sld [smem:$0x0];
	_ =	sdelay $0x1  }
0xbc: {  	s29 =	srdreg.scid  }
0xbd: {  	s30 =	sshll.u32 s29, $0xD;
	s31 =	sshrl.u32 s29, $0x2  }
0xbe: {  	s1 =	sand.u32 $0x1, s29;
	s2 =	sand.u32 $0x4000, s30;
	s0 =	sadd.s32 s31, s28  }
0xbf: {  	s1 =	sor.u32 s2, s1;
	s0 =	sshll.u32 s0, $0x11  }
0xc0: {  	s0 =	sor.u32 s0, s1  }
0xc1: {  	s0 =	sadd.s32 $0x8F2B, s0  }
0xc2: {  	[sflag:s0] =	ssyncadd.remote.s32 $0x1  }
0xc3: {  	_ =	sfence.sel $0xFFFF  }
0xc4: {  	[dreg:$0x0] =	wrdreg $0xFFFFFFFF;
	(pc) =	sbr.abs _section_cstart, $3  }
0xc5: {  	[dreg:$0x1] =	wrdreg $0xFFFFFFFF  }
0xc6: {  	_ =	task.clear_ibuf [dreg:s7], $0x2FFFF;
	_ =	strace $0x9FFFFFFF  }
0xc7: {  	(tm) =	ssettm $0x7FFFFFFF  }
tec
execute0_lowered:
.L_overlay_start_1:
0x0: {  	(tag) =	ssettag $0x1  }
0x1: {  	s5 =	rddreg [dreg:$0x0]  }
0x2: {  	s3 =	rddreg [dreg:$0x1]  }
0x3: {  	s2 =	rddreg [dreg:$0x2]  }
0x4: {  	s0 =	rddreg [dreg:$0x3]  }
0x5: {  	s4 =	simm.s32 $0x0;
	s1 =	stileid.u32;
	s23 =	simm.s32 $0x1000  }
0x6: {  	s7 =	simm.s32 $0x10000;
	[smem:$0x7FF] =	sst s4;
	s6 =	sshll.u32 s1, $0x9  }
0x7: {  	s24 =	simm.s32 $0x1;
	_ =	strace $0x80000047;
	s5 =	sadd.s32 s5, s6  }
0x8: {  	[tilespmem:s4], [sflag:$0x1] =	stream.strided.gather [hbm4b:s5+s23], $0x2000, s7, s23, $0x38;
	[tilespmem:$0x2800] =	vst v63  }
0x9: {  	s25 =	simm.s32 $0x0;
	_ =	swait.ge [sflag:s24], $0x2000  }
0xa: {  	s9 =	sand.u32 $0x60, s4;
	s5 =	sand.u32 $0x3FFFFC00, s25;
	[sflag:s24] =	ssyncset.done $0x0  }
0xb: {  	s26 =	sor.u32 s9, s5;
	[sflag:s24] =	ssyncadd.s32 $0xFFFFE000  }
0xc: {  	v1 =	vld [tilespmem:s26+$0x0]  }
0xd: {  	v2 =	vld [tilespmem:s26+$0x80];
	_ =	sdelay $0x1  }
0xe: {  	v3 =	vld [tilespmem:s26+$0x100];
	_ =	sdelay $0x1  }
0xf: {  	v4 =	vld [tilespmem:s26+$0x180]  }
0x10: {  	vm2 =	vgt.f32 v2, v1  }
0x11: {  	v5 =	vld [tilespmem:s26+$0x200];
	v0 =	vsel vm2, v2, v1  }
0x12: {  	vm3 =	vgt.f32 v3, v0  }
0x13: {  	v6 =	vld [tilespmem:s26+$0x280];
	v0 =	vsel vm3, v3, v0  }
0x14: {  	vm0 =	vgt.f32 v4, v0  }
0x15: {  	v7 =	vld [tilespmem:s26+$0x300];
	v0 =	vsel vm0, v4, v0  }
0x16: {  	vm1 =	vgt.f32 v5, v0  }
0x17: {  	s28 =	sadd.s32 $0x1000, s5;
	v8 =	vld [tilespmem:s26+$0x380];
	v0 =	vsel vm1, v5, v0  }
0x18: {  	s8 =	sor.u32 s9, s28;
	vm4 =	vgt.f32 v6, v0  }
0x19: {  	s29 =	sadd.s32 $0x1080, s5;
	v9 =	vld [tilespmem:s8+$0x0];
	v0 =	vsel vm4, v6, v0  }
0x1a: {  	s10 =	sor.u32 s9, s29;
	vm5 =	vgt.f32 v7, v0  }
0x1b: {  	s30 =	sadd.s32 $0x1100, s5;
	v10 =	vld [tilespmem:s10+$0x0];
	v0 =	vsel vm5, v7, v0  }
0x1c: {  	s11 =	sor.u32 s9, s30;
	vm6 =	vgt.f32 v8, v0  }
0x1d: {  	s31 =	sadd.s32 $0x1180, s5;
	v11 =	vld [tilespmem:s11+$0x0];
	v12 =	vsel vm6, v8, v0  }
0x1e: {  	s12 =	sor.u32 s9, s31;
	v0 =	vimm.s32 $0x0;
	vm7 =	vgt.f32 v9, v12  }
0x1f: {  	s17 =	sadd.s32 $0x1200, s5;
	v13 =	vld [tilespmem:s12+$0x0];
	v14 =	vsel vm2, $0x1, v0;
	v12 =	vsel vm7, v9, v12  }
0x20: {  	s13 =	sor.u32 s9, s17;
	v14 =	vsel vm3, $0x2, v14;
	vm10 =	vgt.f32 v10, v12  }
0x21: {  	s18 =	sadd.s32 $0x1280, s5;
	v15 =	vld [tilespmem:s13+$0x0];
	v14 =	vsel vm0, $0x3, v14;
	v12 =	vsel vm10, v10, v12  }
0x22: {  	s14 =	sor.u32 s9, s18;
	v14 =	vsel vm1, $0x4, v14;
	vm11 =	vgt.f32 v11, v12  }
0x23: {  	s19 =	sadd.s32 $0x1300, s5;
	v16 =	vld [tilespmem:s14+$0x0];
	v14 =	vsel vm4, $0x5, v14;
	v12 =	vsel vm11, v11, v12  }
0x24: {  	s15 =	sor.u32 s9, s19;
	v14 =	vsel vm5, $0x6, v14;
	vm12 =	vgt.f32 v13, v12  }
0x25: {  	s20 =	sadd.s32 $0x1380, s5;
	v17 =	vld [tilespmem:s15+$0x0];
	v14 =	vsel vm6, $0x7, v14;
	v12 =	vsel vm12, v13, v12  }
0x26: {  	s21 =	sor.u32 s9, s20;
	v14 =	vsel vm7, $0x8, v14;
	vm13 =	vgt.f32 v15, v12  }
0x27: {  	v18 =	vld [tilespmem:s21+$0x0];
	v14 =	vsel vm10, $0x9, v14;
	v12 =	vsel vm13, v15, v12  }
0x28: {  	v14 =	vsel vm11, $0xA, v14;
	vm14 =	vgt.f32 v16, v12  }
0x29: {  	v14 =	vsel vm12, $0xB, v14;
	v12 =	vsel vm14, v16, v12  }
0x2a: {  	v14 =	vsel vm13, $0xC, v14;
	vm15 =	vgt.f32 v17, v12  }
0x2b: {  	v14 =	vsel vm14, $0xD, v14;
	v12 =	vsel vm15, v17, v12  }
0x2c: {  	v14 =	vsel vm15, $0xE, v14;
	vm0 =	vgt.f32 v18, v12  }
0x2d: {  	v14 =	vsel vm0, $0xF, v14  }
0x2e: {  	vm4 =	veq.s32 v14, $0x0  }
0x2f: {  	v1 =	vsel vm4, $0xBF800000, v1  }
0x30: {  	vm5 =	veq.s32 v14, $0x1;
	vm6 =	vgt.f32 v1, $-1.000000000e+00  }
0x31: {  	v2 =	vsel vm5, $0xBF800000, v2;
	v1 =	vnsel vm6, $0xBF800000, v1  }
0x32: {  	vm7 =	veq.s32 v14, $0x2;
	vm2 =	vgt.f32 v2, v1  }
0x33: {  	v1 =	vsel vm2, v2, v1;
	v2 =	vsel vm7, $0xBF800000, v3  }
0x34: {  	vm8 =	veq.s32 v14, $0x3;
	vm3 =	vgt.f32 v2, v1  }
0x35: {  	v1 =	vsel vm3, v2, v1;
	v2 =	vsel vm8, $0xBF800000, v4  }
0x36: {  	vm9 =	veq.s32 v14, $0x4;
	vm4 =	vgt.f32 v2, v1  }
0x37: {  	v1 =	vsel vm4, v2, v1;
	v2 =	vsel vm9, $0xBF800000, v5  }
0x38: {  	vm10 =	veq.s32 v14, $0x5;
	vm5 =	vgt.f32 v2, v1  }
0x39: {  	v1 =	vsel vm5, v2, v1;
	v2 =	vsel vm10, $0xBF800000, v6  }
0x3a: {  	vm11 =	veq.s32 v14, $0x6;
	vm6 =	vgt.f32 v2, v1  }
0x3b: {  	v1 =	vsel vm6, v2, v1;
	v2 =	vsel vm11, $0xBF800000, v7  }
0x3c: {  	vm12 =	veq.s32 v14, $0x7;
	vm7 =	vgt.f32 v2, v1  }
0x3d: {  	v1 =	vsel vm7, v2, v1;
	v2 =	vsel vm12, $0xBF800000, v8  }
0x3e: {  	vm13 =	veq.s32 v14, $0x8;
	vm8 =	vgt.f32 v2, v1  }
0x3f: {  	v1 =	vsel vm8, v2, v1;
	v2 =	vsel vm13, $0xBF800000, v9  }
0x40: {  	vm14 =	veq.s32 v14, $0x9;
	vm9 =	vgt.f32 v2, v1  }
0x41: {  	v1 =	vsel vm9, v2, v1;
	v2 =	vsel vm14, $0xBF800000, v10  }
0x42: {  	vm15 =	veq.s32 v14, $0xA;
	v3 =	vsel vm2, $0x1, v0;
	vm2 =	vgt.f32 v2, v1  }
0x43: {  	v3 =	vsel vm3, $0x2, v3;
	v1 =	vsel vm2, v2, v1;
	v2 =	vsel vm15, $0xBF800000, v11  }
0x44: {  	v3 =	vsel vm4, $0x3, v3;
	vm10 =	veq.s32 v14, $0xB;
	vm11 =	vgt.f32 v2, v1  }
0x45: {  	v3 =	vsel vm5, $0x4, v3;
	v1 =	vsel vm11, v2, v1;
	v2 =	vsel vm10, $0xBF800000, v13  }
0x46: {  	v3 =	vsel vm6, $0x5, v3;
	vm12 =	veq.s32 v14, $0xC;
	vm13 =	vgt.f32 v2, v1  }
0x47: {  	v3 =	vsel vm7, $0x6, v3;
	v1 =	vsel vm13, v2, v1;
	v2 =	vsel vm12, $0xBF800000, v15  }
0x48: {  	v3 =	vsel vm8, $0x7, v3;
	vm14 =	veq.s32 v14, $0xD;
	vm15 =	vgt.f32 v2, v1  }
0x49: {  	v3 =	vsel vm9, $0x8, v3;
	v1 =	vsel vm15, v2, v1;
	v2 =	vsel vm14, $0xBF800000, v16  }
0x4a: {  	vm7 =	veq.s32 v14, $0xE;
	v3 =	vsel vm2, $0x9, v3;
	vm8 =	vgt.f32 v2, v1  }
0x4b: {  	s22 =	simm.s32 $0x0;
	v3 =	vsel vm11, $0xA, v3;
	v1 =	vsel vm8, v2, v1;
	v2 =	vsel vm7, $0xBF800000, v17  }
0x4c: {  	s15 =	sand.u32 $0xFFFFFF00, s22;
	vm9 =	veq.s32 v14, $0xF;
	v3 =	vsel vm13, $0xB, v3;
	vm10 =	vgt.f32 v2, v1  }
0x4d: {  	s16 =	sor.u32 s9, s15;
	v3 =	vsel vm15, $0xC, v3;
	v1 =	vsel vm10, v2, v1;
	v2 =	vsel vm9, $0xBF800000, v18  }
0x4e: {  	[tilespmem:s16+$0x2400] =	vst v14;
	v4 =	vsel vm0, v18, v12;
	v3 =	vsel vm8, $0xD, v3;
	vm11 =	vgt.f32 v2, v1  }
0x4f: {  	[tilespmem:s16+$0x2000] =	vst v4;
	v3 =	vsel vm10, $0xE, v3;
	v1 =	vsel vm11, v2, v1  }
0x50: {  	s9 =	sor.u32 $0x10, s9;
	v2 =	vsel vm11, $0xF, v3;
	[tilespmem:s16+$0x2080] =	vst v1  }
0x51: {  	s5 =	sor.u32 s9, s5;
	[tilespmem:s16+$0x2480] =	vst v2  }
0x52: {  	v1 =	vld [tilespmem:s5+$0x0]  }
0x53: {  	v2 =	vld [tilespmem:s5+$0x80];
	_ =	sdelay $0x1  }
0x54: {  	v3 =	vld [tilespmem:s5+$0x100];
	_ =	sdelay $0x1  }
0x55: {  	v4 =	vld [tilespmem:s5+$0x180]  }
0x56: {  	vm0 =	vgt.f32 v2, v1  }
0x57: {  	v5 =	vld [tilespmem:s5+$0x200];
	v51 =	vsel vm0, v2, v1  }
0x58: {  	vm12 =	vgt.f32 v3, v51  }
0x59: {  	v52 =	vld [tilespmem:s5+$0x280];
	v6 =	vsel vm12, v3, v51  }
0x5a: {  	vm13 =	vgt.f32 v4, v6  }
0x5b: {  	v53 =	vld [tilespmem:s5+$0x300];
	v6 =	vsel vm13, v4, v6  }
0x5c: {  	vm14 =	vgt.f32 v5, v6  }
0x5d: {  	v54 =	vld [tilespmem:s5+$0x380];
	v6 =	vsel vm14, v5, v6  }
0x5e: {  	s23 =	sor.u32 s9, s28;
	vm15 =	vgt.f32 v52, v6  }
0x5f: {  	v55 =	vld [tilespmem:s23+$0x0];
	v6 =	vsel vm15, v52, v6  }
0x60: {  	s24 =	sor.u32 s9, s29;
	vm9 =	vgt.f32 v53, v6  }
0x61: {  	v56 =	vld [tilespmem:s24+$0x0];
	v6 =	vsel vm9, v53, v6  }
0x62: {  	s25 =	sor.u32 s9, s30;
	vm10 =	vgt.f32 v54, v6  }
0x63: {  	v57 =	vld [tilespmem:s25+$0x0];
	v6 =	vsel vm10, v54, v6  }
0x64: {  	s26 =	sor.u32 s9, s31;
	vm11 =	vgt.f32 v55, v6  }
0x65: {  	v58 =	vld [tilespmem:s26+$0x0];
	v59 =	vsel vm0, $0x1, v0;
	v6 =	vsel vm11, v55, v6  }
0x66: {  	s28 =	sor.u32 s9, s17;
	v14 =	vsel vm12, $0x2, v59;
	vm12 =	vgt.f32 v56, v6  }
0x67: {  	v60 =	vld [tilespmem:s28+$0x0];
	v14 =	vsel vm13, $0x3, v14;
	v6 =	vsel vm12, v56, v6  }
0x68: {  	s29 =	sor.u32 s9, s18;
	v14 =	vsel vm14, $0x4, v14;
	vm13 =	vgt.f32 v57, v6  }
0x69: {  	v61 =	vld [tilespmem:s29+$0x0];
	v14 =	vsel vm15, $0x5, v14;
	v6 =	vsel vm13, v57, v6  }
0x6a: {  	s30 =	sor.u32 s9, s19;
	v14 =	vsel vm9, $0x6, v14;
	vm14 =	vgt.f32 v58, v6  }
0x6b: {  	v62 =	vld [tilespmem:s30+$0x0];
	v14 =	vsel vm10, $0x7, v14;
	v6 =	vsel vm14, v58, v6  }
0x6c: {  	s31 =	sor.u32 s9, s20;
	v14 =	vsel vm11, $0x8, v14;
	vm15 =	vgt.f32 v60, v6  }
0x6d: {  	v63 =	vld [tilespmem:s31+$0x0];
	v14 =	vsel vm12, $0x9, v14;
	v6 =	vsel vm15, v60, v6  }
0x6e: {  	v14 =	vsel vm13, $0xA, v14;
	vm4 =	vgt.f32 v61, v6  }
0x6f: {  	v14 =	vsel vm14, $0xB, v14;
	v6 =	vsel vm4, v61, v6  }
0x70: {  	v14 =	vsel vm15, $0xC, v14;
	vm5 =	vgt.f32 v62, v6  }
0x71: {  	v14 =	vsel vm4, $0xD, v14;
	v6 =	vsel vm5, v62, v6  }
0x72: {  	v14 =	vsel vm5, $0xE, v14;
	vm0 =	vgt.f32 v63, v6  }
0x73: {  	v14 =	vsel vm0, $0xF, v14  }
0x74: {  	vm6 =	veq.s32 v14, $0x0  }
0x75: {  	v1 =	vsel vm6, $0xBF800000, v1  }
0x76: {  	vm7 =	veq.s32 v14, $0x1;
	vm8 =	vgt.f32 v1, $-1.000000000e+00  }
0x77: {  	v2 =	vsel vm7, $0xBF800000, v2;
	v1 =	vnsel vm8, $0xBF800000, v1  }
0x78: {  	vm9 =	veq.s32 v14, $0x2;
	vm2 =	vgt.f32 v2, v1  }
0x79: {  	v3 =	vsel vm9, $0xBF800000, v3;
	v1 =	vsel vm2, v2, v1  }
0x7a: {  	vm10 =	veq.s32 v14, $0x3;
	vm3 =	vgt.f32 v3, v1  }
0x7b: {  	v2 =	vsel vm10, $0xBF800000, v4;
	v1 =	vsel vm3, v3, v1  }
0x7c: {  	vm11 =	veq.s32 v14, $0x4;
	vm4 =	vgt.f32 v2, v1  }
0x7d: {  	v3 =	vsel vm11, $0xBF800000, v5;
	v1 =	vsel vm4, v2, v1  }
0x7e: {  	vm12 =	veq.s32 v14, $0x5;
	vm5 =	vgt.f32 v3, v1  }
0x7f: {  	v2 =	vsel vm12, $0xBF800000, v52;
	v1 =	vsel vm5, v3, v1  }
0x80: {  	vm13 =	veq.s32 v14, $0x6;
	vm6 =	vgt.f32 v2, v1  }
0x81: {  	v3 =	vsel vm13, $0xBF800000, v53;
	v1 =	vsel vm6, v2, v1  }
0x82: {  	vm14 =	veq.s32 v14, $0x7;
	vm7 =	vgt.f32 v3, v1  }
0x83: {  	v2 =	vsel vm14, $0xBF800000, v54;
	v1 =	vsel vm7, v3, v1  }
0x84: {  	vm15 =	veq.s32 v14, $0x8;
	vm8 =	vgt.f32 v2, v1  }
0x85: {  	v4 =	vsel vm15, $0xBF800000, v55;
	vm10 =	veq.s32 v14, $0x9;
	v1 =	vsel vm8, v2, v1  }
0x86: {  	vm15 =	veq.s32 v14, $0xC;
	v2 =	vsel vm2, $0x1, v0;
	vm1 =	vgt.f32 v4, v1  }
0x87: {  	v5 =	vsel vm10, $0xBF800000, v56;
	v2 =	vsel vm3, $0x2, v2;
	v1 =	vsel vm1, v4, v1  }
0x88: {  	vm11 =	veq.s32 v14, $0xA;
	v2 =	vsel vm4, $0x3, v2;
	vm12 =	vgt.f32 v5, v1  }
0x89: {  	v4 =	vsel vm11, $0xBF800000, v57;
	v2 =	vsel vm5, $0x4, v2;
	v1 =	vsel vm12, v5, v1  }
0x8a: {  	vm13 =	veq.s32 v14, $0xB;
	v2 =	vsel vm6, $0x5, v2;
	vm14 =	vgt.f32 v4, v1  }
0x8b: {  	v5 =	vsel vm13, $0xBF800000, v58;
	v2 =	vsel vm7, $0x6, v2;
	v1 =	vsel vm14, v4, v1  }
0x8c: {  	vm10 =	veq.s32 v14, $0xD;
	v2 =	vsel vm8, $0x7, v2;
	vm9 =	vgt.f32 v5, v1  }
0x8d: {  	v4 =	vsel vm15, $0xBF800000, v60;
	v2 =	vsel vm1, $0x8, v2;
	v1 =	vsel vm9, v5, v1  }
0x8e: {  	v3 =	vsel vm0, v63, v6;
	v2 =	vsel vm12, $0x9, v2;
	vm11 =	vgt.f32 v4, v1  }
0x8f: {  	v5 =	vsel vm10, $0xBF800000, v61;
	v2 =	vsel vm14, $0xA, v2;
	v1 =	vsel vm11, v4, v1  }
0x90: {  	vm12 =	veq.s32 v14, $0xE;
	v2 =	vsel vm9, $0xB, v2;
	vm13 =	vgt.f32 v5, v1  }
0x91: {  	s7 =	sor.u32 s15, s9;
	v4 =	vsel vm12, $0xBF800000, v62;
	v2 =	vsel vm11, $0xC, v2;
	v5 =	vsel vm13, v5, v1  }
0x92: {  	[tilespmem:s7+$0x2000] =	vst v3;
	vm14 =	veq.s32 v14, $0xF;
	v3 =	vsel vm13, $0xD, v2;
	vm15 =	vgt.f32 v4, v5  }
0x93: {  	s5 =	simm.s32 $0x0;
	[tilespmem:s7+$0x2400] =	vst v14;
	v1 =	vsel vm14, $0xBF800000, v63;
	v2 =	vsel vm15, v4, v5;
	v3 =	vsel vm15, $0xE, v3  }
.LBB2_1:
0x94: {  	s5 =	sadd.s32 $0x2, s5;
	vm0 =	vgt.f32 v1, v2;
	s4 =	sadd.s32 $0x20, s4  }
0x95: {  	s6 =	sshll.u32 s5, $0x7;
	s8 =	sshll.u32 s5, $0x5;
	p0 =	slt.u32 s5, $0x1E;
	v1 =	vsel vm0, v1, v2;
	v2 =	vsel vm0, $0xF, v3  }
0x96: {  	s17 =	sand.u32 $0x60, s4;
	s16 =	sand.u32 $0x3FFFFC00, s6;
	s6 =	sand.u32 $0xFFFFFF00, s8;
	[tilespmem:s7+$0x2080] =	vst v1  }
0x97: {  	s22 =	sor.u32 s17, s16;
	s8 =	sadd.s32 $0x1000, s16;
	s9 =	sadd.s32 $0x1080, s16;
	[tilespmem:s7+$0x2480] =	vst v2  }
0x98: {  	s10 =	sadd.s32 $0x1100, s16;
	v1 =	vld [tilespmem:s22+$0x0];
	s23 =	sor.u32 s17, s8;
	s24 =	sor.u32 s17, s9  }
0x99: {  	s11 =	sadd.s32 $0x1180, s16;
	s26 =	sadd.s32 $0x1200, s16;
	s25 =	sor.u32 s17, s10;
	v2 =	vld [tilespmem:s22+$0x80]  }
0x9a: {  	s29 =	sadd.s32 $0x1280, s16;
	s28 =	sor.u32 s17, s11;
	s21 =	sor.u32 s17, s26  }
0x9b: {  	s30 =	sadd.s32 $0x1300, s16;
	s31 =	sadd.s32 $0x1380, s16;
	s20 =	sor.u32 s17, s29;
	v3 =	vld [tilespmem:s22+$0x100]  }
0x9c: {  	s7 =	sor.u32 $0x10, s17;
	s19 =	sor.u32 s17, s30;
	s18 =	sor.u32 s17, s31  }
0x9d: {  	s15 =	sor.u32 s7, s8;
	s14 =	sor.u32 s7, s9;
	s13 =	sor.u32 s7, s10;
	v4 =	vld [tilespmem:s22+$0x180]  }
0x9e: {  	s12 =	sor.u32 s7, s11;
	s11 =	sor.u32 s7, s26;
	s10 =	sor.u32 s7, s29;
	vm0 =	vgt.f32 v2, v1  }
0x9f: {  	s9 =	sor.u32 s7, s30;
	s8 =	sor.u32 s7, s31;
	v5 =	vld [tilespmem:s22+$0x200];
	v6 =	vsel vm0, v2, v1  }
0xa0: {  	vm1 =	vgt.f32 v3, v6  }
0xa1: {  	v7 =	vld [tilespmem:s22+$0x280];
	v6 =	vsel vm1, v3, v6  }
0xa2: {  	vm2 =	vgt.f32 v4, v6  }
0xa3: {  	v8 =	vld [tilespmem:s22+$0x300];
	v6 =	vsel vm2, v4, v6  }
0xa4: {  	vm3 =	vgt.f32 v5, v6  }
0xa5: {  	v9 =	vld [tilespmem:s22+$0x380];
	v6 =	vsel vm3, v5, v6  }
0xa6: {  	vm4 =	vgt.f32 v7, v6  }
0xa7: {  	v10 =	vld [tilespmem:s23+$0x0];
	v6 =	vsel vm4, v7, v6  }
0xa8: {  	vm5 =	vgt.f32 v8, v6  }
0xa9: {  	v11 =	vld [tilespmem:s24+$0x0];
	v6 =	vsel vm5, v8, v6  }
0xaa: {  	vm6 =	vgt.f32 v9, v6  }
0xab: {  	v12 =	vld [tilespmem:s25+$0x0];
	v6 =	vsel vm6, v9, v6  }
0xac: {  	vm7 =	vgt.f32 v10, v6  }
0xad: {  	v14 =	vsel vm0, $0x1, v0;
	v13 =	vld [tilespmem:s28+$0x0];
	v6 =	vsel vm7, v10, v6  }
0xae: {  	v14 =	vsel vm1, $0x2, v14;
	vm0 =	vgt.f32 v11, v6  }
0xaf: {  	v14 =	vsel vm2, $0x3, v14;
	v15 =	vld [tilespmem:s21+$0x0];
	v6 =	vsel vm0, v11, v6  }
0xb0: {  	v14 =	vsel vm3, $0x4, v14;
	vm1 =	vgt.f32 v12, v6  }
0xb1: {  	v14 =	vsel vm4, $0x5, v14;
	v16 =	vld [tilespmem:s20+$0x0];
	v6 =	vsel vm1, v12, v6  }
0xb2: {  	v14 =	vsel vm5, $0x6, v14;
	vm2 =	vgt.f32 v13, v6  }
0xb3: {  	v14 =	vsel vm6, $0x7, v14;
	v17 =	vld [tilespmem:s19+$0x0];
	v6 =	vsel vm2, v13, v6  }
0xb4: {  	v14 =	vsel vm7, $0x8, v14;
	vm3 =	vgt.f32 v15, v6  }
0xb5: {  	v14 =	vsel vm0, $0x9, v14;
	v18 =	vld [tilespmem:s18+$0x0];
	v6 =	vsel vm3, v15, v6  }
0xb6: {  	v14 =	vsel vm1, $0xA, v14;
	vm0 =	vgt.f32 v16, v6  }
0xb7: {  	v14 =	vsel vm2, $0xB, v14;
	v6 =	vsel vm0, v16, v6  }
0xb8: {  	v14 =	vsel vm3, $0xC, v14;
	vm1 =	vgt.f32 v17, v6  }
0xb9: {  	v14 =	vsel vm0, $0xD, v14;
	v6 =	vsel vm1, v17, v6  }
0xba: {  	v14 =	vsel vm1, $0xE, v14;
	vm0 =	vgt.f32 v18, v6  }
0xbb: {  	v6 =	vsel vm0, v18, v6;
	v14 =	vsel vm0, $0xF, v14  }
0xbc: {  	vm0 =	veq.s32 v14, $0x0;
	vm1 =	veq.s32 v14, $0x1;
	vm2 =	veq.s32 v14, $0x2  }
0xbd: {  	vm13 =	veq.s32 v14, $0x4;
	v1 =	vsel vm0, $0xBF800000, v1;
	vm0 =	veq.s32 v14, $0x3  }
0xbe: {  	vm14 =	veq.s32 v14, $0x5;
	vm11 =	veq.s32 v14, $0x6;
	vm3 =	vgt.f32 v1, $-1.000000000e+00  }
0xbf: {  	vm10 =	veq.s32 v14, $0x7;
	v2 =	vsel vm1, $0xBF800000, v2;
	v1 =	vnsel vm3, $0xBF800000, v1  }
0xc0: {  	vm9 =	veq.s32 v14, $0x8;
	vm7 =	veq.s32 v14, $0x9;
	vm6 =	vgt.f32 v2, v1  }
0xc1: {  	vm5 =	veq.s32 v14, $0xA;
	v1 =	vsel vm6, v2, v1;
	v2 =	vsel vm2, $0xBF800000, v3  }
0xc2: {  	vm4 =	veq.s32 v14, $0xB;
	vm3 =	veq.s32 v14, $0xC;
	vm8 =	vgt.f32 v2, v1  }
0xc3: {  	vm2 =	veq.s32 v14, $0xD;
	v1 =	vsel vm8, v2, v1;
	v2 =	vsel vm0, $0xBF800000, v4  }
0xc4: {  	vm1 =	veq.s32 v14, $0xE;
	vm0 =	veq.s32 v14, $0xF;
	vm12 =	vgt.f32 v2, v1  }
0xc5: {  	v1 =	vsel vm12, v2, v1;
	v2 =	vsel vm13, $0xBF800000, v5  }
0xc6: {  	vm13 =	vgt.f32 v2, v1  }
0xc7: {  	v1 =	vsel vm13, v2, v1;
	v2 =	vsel vm14, $0xBF800000, v7  }
0xc8: {  	vm14 =	vgt.f32 v2, v1  }
0xc9: {  	v1 =	vsel vm14, v2, v1;
	v2 =	vsel vm11, $0xBF800000, v8  }
0xca: {  	vm11 =	vgt.f32 v2, v1  }
0xcb: {  	v1 =	vsel vm11, v2, v1;
	v2 =	vsel vm10, $0xBF800000, v9  }
0xcc: {  	vm10 =	vgt.f32 v2, v1  }
0xcd: {  	v1 =	vsel vm10, v2, v1;
	v2 =	vsel vm9, $0xBF800000, v10  }
0xce: {  	vm9 =	vgt.f32 v2, v1  }
0xcf: {  	v3 =	vsel vm6, $0x1, v0;
	v1 =	vsel vm9, v2, v1;
	v2 =	vsel vm7, $0xBF800000, v11  }
0xd0: {  	v3 =	vsel vm8, $0x2, v3;
	vm6 =	vgt.f32 v2, v1  }
0xd1: {  	v3 =	vsel vm12, $0x3, v3;
	v1 =	vsel vm6, v2, v1;
	v2 =	vsel vm5, $0xBF800000, v12  }
0xd2: {  	v3 =	vsel vm13, $0x4, v3;
	vm5 =	vgt.f32 v2, v1  }
0xd3: {  	v3 =	vsel vm14, $0x5, v3;
	v1 =	vsel vm5, v2, v1;
	v2 =	vsel vm4, $0xBF800000, v13  }
0xd4: {  	v3 =	vsel vm11, $0x6, v3;
	vm4 =	vgt.f32 v2, v1  }
0xd5: {  	v3 =	vsel vm10, $0x7, v3;
	v1 =	vsel vm4, v2, v1;
	v2 =	vsel vm3, $0xBF800000, v15  }
0xd6: {  	v3 =	vsel vm9, $0x8, v3;
	vm3 =	vgt.f32 v2, v1  }
0xd7: {  	v3 =	vsel vm6, $0x9, v3;
	v1 =	vsel vm3, v2, v1;
	v2 =	vsel vm2, $0xBF800000, v16  }
0xd8: {  	v3 =	vsel vm5, $0xA, v3;
	vm2 =	vgt.f32 v2, v1  }
0xd9: {  	v3 =	vsel vm4, $0xB, v3;
	v1 =	vsel vm2, v2, v1;
	v2 =	vsel vm1, $0xBF800000, v17  }
0xda: {  	v3 =	vsel vm3, $0xC, v3;
	vm1 =	vgt.f32 v2, v1  }
0xdb: {  	s17 =	sor.u32 s17, s6;
	v3 =	vsel vm2, $0xD, v3;
	v1 =	vsel vm1, v2, v1;
	v2 =	vsel vm0, $0xBF800000, v18  }
0xdc: {  	v3 =	vsel vm1, $0xE, v3;
	vm0 =	vgt.f32 v2, v1;
	[tilespmem:s17+$0x2400] =	vst v14  }
0xdd: {  	v1 =	vsel vm0, v2, v1;
	v2 =	vsel vm0, $0xF, v3;
	[tilespmem:s17+$0x2000] =	vst v6  }
0xde: {  	[tilespmem:s17+$0x2080] =	vst v1  }
0xdf: {  	s16 =	sor.u32 s7, s16;
	[tilespmem:s17+$0x2480] =	vst v2  }
0xe0: {  	v1 =	vld [tilespmem:s16+$0x0]  }
0xe1: {  	v2 =	vld [tilespmem:s16+$0x80];
	_ =	sdelay $0x1  }
0xe2: {  	v3 =	vld [tilespmem:s16+$0x100];
	_ =	sdelay $0x1  }
0xe3: {  	v4 =	vld [tilespmem:s16+$0x180]  }
0xe4: {  	vm0 =	vgt.f32 v2, v1  }
0xe5: {  	v5 =	vld [tilespmem:s16+$0x200];
	v6 =	vsel vm0, v2, v1  }
0xe6: {  	vm1 =	vgt.f32 v3, v6  }
0xe7: {  	v7 =	vld [tilespmem:s16+$0x280];
	v6 =	vsel vm1, v3, v6  }
0xe8: {  	vm2 =	vgt.f32 v4, v6  }
0xe9: {  	v8 =	vld [tilespmem:s16+$0x300];
	v6 =	vsel vm2, v4, v6  }
0xea: {  	vm3 =	vgt.f32 v5, v6  }
0xeb: {  	v9 =	vld [tilespmem:s16+$0x380];
	v6 =	vsel vm3, v5, v6  }
0xec: {  	vm4 =	vgt.f32 v7, v6  }
0xed: {  	v10 =	vld [tilespmem:s15+$0x0];
	v6 =	vsel vm4, v7, v6  }
0xee: {  	vm5 =	vgt.f32 v8, v6  }
0xef: {  	v11 =	vld [tilespmem:s14+$0x0];
	v6 =	vsel vm5, v8, v6  }
0xf0: {  	vm6 =	vgt.f32 v9, v6  }
0xf1: {  	v13 =	vsel vm0, $0x1, v0;
	v12 =	vld [tilespmem:s13+$0x0];
	v6 =	vsel vm6, v9, v6  }
0xf2: {  	v13 =	vsel vm1, $0x2, v13;
	vm0 =	vgt.f32 v10, v6  }
0xf3: {  	v13 =	vsel vm2, $0x3, v13;
	v14 =	vld [tilespmem:s12+$0x0];
	v6 =	vsel vm0, v10, v6  }
0xf4: {  	v13 =	vsel vm3, $0x4, v13;
	vm1 =	vgt.f32 v11, v6  }
0xf5: {  	v13 =	vsel vm4, $0x5, v13;
	v15 =	vld [tilespmem:s11+$0x0];
	v6 =	vsel vm1, v11, v6  }
0xf6: {  	v13 =	vsel vm5, $0x6, v13;
	vm2 =	vgt.f32 v12, v6  }
0xf7: {  	v13 =	vsel vm6, $0x7, v13;
	v16 =	vld [tilespmem:s10+$0x0];
	v6 =	vsel vm2, v12, v6  }
0xf8: {  	v13 =	vsel vm0, $0x8, v13;
	vm0 =	vgt.f32 v14, v6  }
0xf9: {  	v13 =	vsel vm1, $0x9, v13;
	v17 =	vld [tilespmem:s9+$0x0];
	v6 =	vsel vm0, v14, v6  }
0xfa: {  	v13 =	vsel vm2, $0xA, v13;
	vm1 =	vgt.f32 v15, v6  }
0xfb: {  	v13 =	vsel vm0, $0xB, v13;
	v18 =	vld [tilespmem:s8+$0x0];
	v6 =	vsel vm1, v15, v6  }
0xfc: {  	v13 =	vsel vm1, $0xC, v13;
	vm0 =	vgt.f32 v16, v6  }
0xfd: {  	v6 =	vsel vm0, v16, v6;
	v13 =	vsel vm0, $0xD, v13  }
0xfe: {  	vm0 =	vgt.f32 v17, v6  }
0xff: {  	v6 =	vsel vm0, v17, v6;
	v13 =	vsel vm0, $0xE, v13  }
0x100: {  	vm0 =	vgt.f32 v18, v6  }
0x101: {  	s7 =	sor.u32 s6, s7;
	v6 =	vsel vm0, v18, v6;
	v13 =	vsel vm0, $0xF, v13  }
0x102: {  	vm0 =	veq.s32 v13, $0x0;
	vm1 =	veq.s32 v13, $0x1;
	vm2 =	veq.s32 v13, $0x2;
	[tilespmem:s7+$0x2000] =	vst v6  }
0x103: {  	v1 =	vsel vm0, $0xBF800000, v1;
	v2 =	vsel vm1, $0xBF800000, v2;
	vm0 =	veq.s32 v13, $0x3;
	[tilespmem:s7+$0x2400] =	vst v13  }
0x104: {  	vm3 =	veq.s32 v13, $0x4;
	vm10 =	veq.s32 v13, $0x5;
	vm1 =	vgt.f32 v1, $-1.000000000e+00  }
0x105: {  	vm11 =	veq.s32 v13, $0x6;
	v3 =	vsel vm2, $0xBF800000, v3;
	v1 =	vnsel vm1, $0xBF800000, v1  }
0x106: {  	vm12 =	veq.s32 v13, $0x7;
	vm9 =	veq.s32 v13, $0x8;
	vm5 =	vgt.f32 v2, v1  }
0x107: {  	vm8 =	veq.s32 v13, $0x9;
	v1 =	vsel vm5, v2, v1;
	v2 =	vsel vm0, $0xBF800000, v4  }
0x108: {  	vm6 =	veq.s32 v13, $0xA;
	vm4 =	veq.s32 v13, $0xB;
	vm7 =	vgt.f32 v3, v1  }
0x109: {  	v1 =	vsel vm7, v3, v1;
	v3 =	vsel vm3, $0xBF800000, v5;
	vm3 =	veq.s32 v13, $0xC  }
0x10a: {  	vm2 =	veq.s32 v13, $0xD;
	vm1 =	veq.s32 v13, $0xE;
	vm13 =	vgt.f32 v2, v1  }
0x10b: {  	vm0 =	veq.s32 v13, $0xF;
	v1 =	vsel vm13, v2, v1;
	v2 =	vsel vm10, $0xBF800000, v7  }
0x10c: {  	vm10 =	vgt.f32 v3, v1  }
0x10d: {  	v1 =	vsel vm10, v3, v1;
	v3 =	vsel vm11, $0xBF800000, v8  }
0x10e: {  	vm11 =	vgt.f32 v2, v1  }
0x10f: {  	v1 =	vsel vm11, v2, v1;
	v2 =	vsel vm12, $0xBF800000, v9  }
0x110: {  	vm12 =	vgt.f32 v3, v1  }
0x111: {  	v1 =	vsel vm12, v3, v1;
	v3 =	vsel vm9, $0xBF800000, v10  }
0x112: {  	vm9 =	vgt.f32 v2, v1  }
0x113: {  	v4 =	vsel vm5, $0x1, v0;
	v1 =	vsel vm9, v2, v1;
	v2 =	vsel vm8, $0xBF800000, v11  }
0x114: {  	v4 =	vsel vm7, $0x2, v4;
	vm5 =	vgt.f32 v3, v1  }
0x115: {  	v4 =	vsel vm13, $0x3, v4;
	v1 =	vsel vm5, v3, v1;
	v3 =	vsel vm6, $0xBF800000, v12  }
0x116: {  	v4 =	vsel vm10, $0x4, v4;
	vm6 =	vgt.f32 v2, v1  }
0x117: {  	v4 =	vsel vm11, $0x5, v4;
	v1 =	vsel vm6, v2, v1;
	v2 =	vsel vm4, $0xBF800000, v14  }
0x118: {  	v4 =	vsel vm12, $0x6, v4;
	vm4 =	vgt.f32 v3, v1  }
0x119: {  	v4 =	vsel vm9, $0x7, v4;
	v1 =	vsel vm4, v3, v1;
	v3 =	vsel vm3, $0xBF800000, v15  }
0x11a: {  	v4 =	vsel vm5, $0x8, v4;
	vm3 =	vgt.f32 v2, v1  }
0x11b: {  	v4 =	vsel vm6, $0x9, v4;
	v1 =	vsel vm3, v2, v1;
	v2 =	vsel vm2, $0xBF800000, v16  }
0x11c: {  	v4 =	vsel vm4, $0xA, v4;
	vm2 =	vgt.f32 v3, v1  }
.Ltmp0:
0x11d: {  	v4 =	vsel vm3, $0xB, v4;
	v1 =	vsel vm2, v3, v1;
	v3 =	vsel vm1, $0xBF800000, v17;
	(pc) =	sbr.rel @p0 .LBB2_1-.Ltmp0, $4  }
0x11e: {  	v4 =	vsel vm2, $0xC, v4;
	vm1 =	vgt.f32 v2, v1  }
0x11f: {  	v2 =	vsel vm1, v2, v1;
	v4 =	vsel vm1, $0xD, v4;
	v1 =	vsel vm0, $0xBF800000, v18  }
0x120: {  	vm0 =	vgt.f32 v3, v2  }
0x121: {  	v2 =	vsel vm0, v3, v2;
	v3 =	vsel vm0, $0xE, v4  }
0x122: {  	vm0 =	vgt.f32 v1, v2  }
0x123: {  	v0 =	vsel vm0, v1, v2  }
0x124: {  	s4 =	sshll.u32 s1, $0x7;
	s5 =	simm.s32 $0x0;
	v63 =	vsel vm0, $0xF, v3;
	[tilespmem:s7+$0x2080] =	vst v0  }
0x125: {  	s6 =	simm.s32 $0x2000;
	s30 =	simm.s32 $0x1;
	s3 =	sadd.s32 s3, s4;
	[tilespmem:s7+$0x2480] =	vst v63  }
0x126: {  	[hbm4b:s3+s5] =	stream.linear.scatter [tilespmem:s6], [sflag:$0x1], $0x400, $0x38;
	[tilespmem:$0x2800] =	vst v63  }
0x127: {  	_ =	swait.ge [sflag:s30], $0x400  }
0x128: {  	[sflag:s30] =	ssyncset.done $0x0  }
0x129: {  	s31 =	simm.s32 $0x2400;
	s2 =	sadd.s32 s2, s4;
	[sflag:s30] =	ssyncadd.s32 $0xFFFFFC00  }
0x12a: {  	[hbm4b:s2+s5] =	stream.linear.scatter [tilespmem:s31], [sflag:$0x1], $0x400, $0x38;
	[tilespmem:$0x2800] =	vst v63  }
0x12b: {  	_ =	swait.ge [sflag:s30], $0x400  }
0x12c: {  	[sflag:s30] =	ssyncset.done $0x0  }
0x12d: {  	[sflag:s30] =	ssyncadd.s32 $0xFFFFFC00  }
0x12e: {  	_ =	sfence.sel $0x180000  }
0x12f: {  	[bflag:$0x0] =	sbarrier.arrive $0xFFFF  }
0x130: {  	p0 =	sne.s32 s1, $0x0;
	_ =	strace $0x90000047  }
0x131: {  	s0 =	sadd.s32 @!p0 $0x100000, s0;
	[bflag:$0x2] =	sbarrier.arrive $0xFFFF  }
0x132: {  	[sflag:s0] =	ssyncadd.tile.s32 @!p0 $0x1;
	_ =	shalt  }
.Lfunc_end2:
_tile_overlayer_lowered:
.L_overlay_start_2:
0x133: {  	(tag) =	ssettag $0x2  }
0x134: {  	s0 =	rddreg [dreg:$0x0];
	s2 =	stileid.u32  }
0x135: {  	s1 =	rddreg [dreg:$0x1];
	p0 =	sne.s32 s2, $0x0  }
0x136: {  	s3 =	rddreg [dreg:$0x2];
	[bflag:$0x3] =	sbarrier.arrive $0xFFFF;
	s2 =	simm.s32 @!p0 $0x1C01  }
0x137: {  	[timem:s3], [sflag:s2] =	dma.local @!p0 [hbm:s0], s1  }
0x138: {  	s0 =	simm.s32 @!p0 $0x1  }
0x139: {  	_ =	swait.ge @!p0 [sflag:s0], s1  }
0x13a: {  	s1 =	ssub.s32 @!p0 $0x0, s1;
	[sflag:s0] =	ssyncset.done @!p0 $0x0  }
0x13b: {  	[sflag:s0] =	ssyncadd.s32 @!p0 s1  }
0x13c: {  	[bflag:$0x3] =	sbarrier.arrive $0xFFFF  }
0x13d: {  	_ =	shalt  }

</sc_bundles>
